<compile_context>
chip_gen: v7x
topology: tpu7x:2x2x1
jax: 0.10.2.dev20260603
libtpu: 0.0.44.dev20260713+nightly
codegen_flags: <defaults>
</compile_context>

<pallas_src>
import functools

import jax
import jax.numpy as jnp
from jax import lax
from jax.experimental import pallas as pl
from jax.experimental.pallas import tpu as pltpu
from jax.experimental.pallas import tpu_sc as plsc

_DIM = 768
_E = 64
_K = 8
_N = 32768
_BLK = 256
_GRID = _N // _BLK

_NW = 32
_ENTRIES = _N * _K
_PER = _ENTRIES // _NW
_ROWS = _PER // 128


def _router_tc_body(x_ref, w_ref, tv_ref, te_ref, lp_ref, hist_ref,
                    offs_ref, rc_ref, u_ref):
    i = pl.program_id(0)

    @pl.when(i == 0)
    def _():
        rc_ref[...] = jnp.zeros_like(rc_ref)
        r_i = lax.broadcasted_iota(jnp.int32, (_BLK, _BLK), 0)
        c_i = lax.broadcasted_iota(jnp.int32, (_BLK, _BLK), 1)
        u_ref[...] = (r_i < c_i).astype(jnp.float32)

    scores = lax.dot_general(w_ref[...], x_ref[...], (((1,), (1,)), ((), ())),
                             preferred_element_type=jnp.float32)
    m = jnp.max(scores, axis=0, keepdims=True)
    ex = jnp.exp(scores - m)
    p = ex / jnp.sum(ex, axis=0, keepdims=True)

    iota_e = lax.broadcasted_iota(jnp.int32, (_E, _BLK), 0)
    vals, idxs, ohs = [], [], []
    s = p
    for _k in range(_K):
        mk = jnp.max(s, axis=0, keepdims=True)
        ik = jnp.min(jnp.where(s == mk, iota_e, _E), axis=0, keepdims=True)
        oh = iota_e == ik
        vals.append(mk)
        idxs.append(ik)
        ohs.append(oh)
        s = jnp.where(oh, -1.0, s)

    h = (s == -1.0).astype(jnp.float32)
    pfx = lax.dot_general(h, u_ref[...], (((1,), (0,)), ((), ())),
                          precision=lax.Precision.HIGHEST,
                          preferred_element_type=jnp.float32)
    q = pfx + rc_ref[...]

    lps = []
    for _k in range(_K):
        lps.append(jnp.sum(jnp.where(ohs[_k], q, 0.0), axis=0, keepdims=True))

    tv_ref[...] = jnp.concatenate(vals, axis=0)
    te_ref[...] = jnp.concatenate(idxs, axis=0)
    lp_ref[...] = jnp.concatenate(lps, axis=0).astype(jnp.int32)

    rc_new = rc_ref[...] + jnp.sum(h, axis=1, keepdims=True)
    rc_ref[...] = rc_new

    @pl.when(i == _GRID - 1)
    def _():
        hist_ref[...] = jnp.broadcast_to(rc_new, (_E, 128))
        e_r = lax.broadcasted_iota(jnp.int32, (_E, _E), 0)
        e_c = lax.broadcasted_iota(jnp.int32, (_E, _E), 1)
        stri = (e_c < e_r).astype(jnp.float32)
        offs = lax.dot_general(stri, rc_new, (((1,), (0,)), ((), ())),
                               precision=lax.Precision.HIGHEST,
                               preferred_element_type=jnp.float32)
        offs_ref[...] = jnp.broadcast_to(offs, (_E, 128)).astype(jnp.int32)


def _router_tc(x, w):
    return pl.pallas_call(
        _router_tc_body,
        grid=(_GRID,),
        in_specs=[
            pl.BlockSpec((_BLK, _DIM), lambda i: (i, 0)),
            pl.BlockSpec((_E, _DIM), lambda i: (0, 0)),
        ],
        out_specs=[
            pl.BlockSpec((_K, _BLK), lambda i: (0, i)),
            pl.BlockSpec((_K, _BLK), lambda i: (0, i)),
            pl.BlockSpec((_K, _BLK), lambda i: (0, i)),
            pl.BlockSpec((_E, 128), lambda i: (0, 0)),
            pl.BlockSpec((_E, 128), lambda i: (0, 0)),
        ],
        out_shape=[
            jax.ShapeDtypeStruct((_K, _N), jnp.float32),
            jax.ShapeDtypeStruct((_K, _N), jnp.int32),
            jax.ShapeDtypeStruct((_K, _N), jnp.int32),
            jax.ShapeDtypeStruct((_E, 128), jnp.float32),
            jax.ShapeDtypeStruct((_E, 128), jnp.int32),
        ],
        scratch_shapes=[pltpu.VMEM((_E, 1), jnp.float32),
                        pltpu.VMEM((_BLK, _BLK), jnp.float32)],
    )(x, w)


_HALF = _ENTRIES // 2
_TPER = _ENTRIES // 16
_OUTW = _HALF // 16


def _scatter_sc(vals, eids, lps, offs):
    mesh = plsc.VectorSubcoreMesh(core_axis_name="c", subcore_axis_name="s")

    @functools.partial(
        pl.kernel,
        mesh=mesh,
        compiler_params=pltpu.CompilerParams(needs_layout_passes=False),
        out_type=[
            jax.ShapeDtypeStruct((_ENTRIES,), jnp.float32),
            jax.ShapeDtypeStruct((_ENTRIES,), jnp.int32),
        ],
        scratch_types=[
            pltpu.VMEM((_TPER,), jnp.int32),
            pltpu.VMEM((_TPER,), jnp.int32),
            pltpu.VMEM((_TPER,), jnp.float32),
            pltpu.VMEM((_TPER,), jnp.int32),
            pltpu.VMEM((_TPER,), jnp.int32),
            pltpu.VMEM((_E,), jnp.int32),
            pltpu.VMEM_SHARED((_HALF + 16,), jnp.float32),
            pltpu.VMEM_SHARED((_HALF + 16,), jnp.int32),
            pltpu.SemaphoreType.DMA,
        ],
    )
    def k(vals_hbm, eids_hbm, lps_hbm, offs_hbm, out_s_hbm, out_t_hbm,
          e_v, lp_v, val_v, pos_v, tok_v, off_v, s_sp, t_sp, sem):
        cid = lax.axis_index("c")
        sid = lax.axis_index("s")
        base = sid * _TPER
        half0 = cid * _HALF
        pltpu.sync_copy(offs_hbm, off_v)
        pltpu.sync_copy(eids_hbm.at[pl.ds(base, _TPER)], e_v)
        pltpu.sync_copy(lps_hbm.at[pl.ds(base, _TPER)], lp_v)
        pltpu.sync_copy(vals_hbm.at[pl.ds(base, _TPER)], val_v)

        lane = lax.broadcasted_iota(jnp.int32, (16,), 0)
        trash = _HALF + lane

        def chunk_body(r, carry):
            for c in range(8):
                sl = pl.ds(r * 128 + c * 16, 16)
                e16 = e_v[sl]
                lp16 = lp_v[sl]
                p = plsc.load_gather(off_v, [e16]) + lp16 - half0
                inside = (p >= 0) & (p < _HALF)
                pos_v[sl] = jnp.where(inside, p, trash)
                ent = base + r * 128 + c * 16 + lane
                tok_v[sl] = jnp.bitwise_and(ent, _N - 1)
            return carry

        lax.fori_loop(0, _TPER // 128, chunk_body, 0)

        cp1 = pltpu.make_async_copy(val_v, s_sp.at[pos_v], sem)
        cp2 = pltpu.make_async_copy(tok_v, t_sp.at[pos_v], sem)
        cp1.start()
        cp2.start()
        cp1.wait()
        cp2.wait()
        plsc.subcore_barrier()

        osl = pl.ds(sid * _OUTW, _OUTW)
        gsl = pl.ds(half0 + sid * _OUTW, _OUTW)
        pltpu.sync_copy(s_sp.at[osl], out_s_hbm.at[gsl])
        pltpu.sync_copy(t_sp.at[osl], out_t_hbm.at[gsl])

    return k(vals, eids, lps, offs)


def kernel(x, W):
    tv, te, lp, hist2d, offs2d = _router_tc(x, W)
    out_s, out_t = _scatter_sc(tv.reshape(_ENTRIES), te.reshape(_ENTRIES),
                               lp.reshape(_ENTRIES), offs2d[:, 0])
    return out_s, out_t, hist2d[:, 0]

# --- scband reference (transcript-rebuilt; emitter-appended) ---
"""Pipeline reference for scband-token-choice-top-krouter-46334107189527 (READ-ONLY COPY).

The authoritative reference and input builder live on the scoring server;
editing this copy changes nothing except your own understanding.
"""

import jax, jax.numpy as jnp
import numpy as np

DIM = 768
NUM_EXPERTS = 64
TOP_K = 8
N_TOKENS = 32768


def setup_inputs(seed: int = 0) -> dict:
    key = jax.random.key(seed)
    k1, k2 = jax.random.split(key)
    x = jax.random.normal(k1, (N_TOKENS, DIM), dtype=jnp.float32)
    # gate weight, torch nn.Linear(dim, num_experts, bias=False): weight shape (num_experts, dim)
    W = jax.random.normal(k2, (NUM_EXPERTS, DIM), dtype=jnp.float32) * 0.02
    return {"x": x, "W": W}


def reference(x, W):
    # scores = self.gate(x)
    scores = x @ W.T
    # softmax in float32, cast back to x.dtype
    scores = jax.nn.softmax(scores.astype(jnp.float32), axis=1).astype(x.dtype)
    # top-k over experts per token
    top_scores, selected_experts_indices = jax.lax.top_k(scores, TOP_K)
    flat_experts = selected_experts_indices.reshape(-1)
    # torch.histc(values in [0, num_experts), bins=num_experts) == bincount; histc returns float
    num_local_tokens_per_expert = jnp.bincount(flat_experts, length=NUM_EXPERTS).astype(jnp.float32)
    # stable argsort groups tokens by expert id
    token_indices_experts_sorted = jnp.argsort(flat_experts, stable=True)
    top_scores_sorted = top_scores.reshape(-1)[token_indices_experts_sorted]
    token_indices = token_indices_experts_sorted // TOP_K
    return (top_scores_sorted, token_indices, num_local_tokens_per_expert)

if __name__ == "__main__":
    import jax
    _d = setup_inputs()
    print(jax.jit(kernel)(*tuple(_d.values())))

</pallas_src>

<mosaic_0001>
#map = affine_map<(d0, d1) -> (0)>
module attributes {stable_mosaic.version = 14 : i64} {
  func.func @k(%arg0: i32, %arg1: i32, %arg2: memref<262144xf32, #tpu.memory_space<hbm>>, %arg3: memref<262144xi32, #tpu.memory_space<hbm>>, %arg4: memref<262144xi32, #tpu.memory_space<hbm>>, %arg5: memref<64xi32, #tpu.memory_space<hbm>>, %arg6: memref<262144xf32, #tpu.memory_space<hbm>>, %arg7: memref<262144xi32, #tpu.memory_space<hbm>>, %arg8: memref<16384xi32, #tpu.memory_space<vmem>>, %arg9: memref<16384xi32, #tpu.memory_space<vmem>>, %arg10: memref<16384xf32, #tpu.memory_space<vmem>>, %arg11: memref<16384xi32, #tpu.memory_space<vmem>>, %arg12: memref<16384xi32, #tpu.memory_space<vmem>>, %arg13: memref<64xi32, #tpu.memory_space<vmem>>, %arg14: memref<131088xf32, #tpu.memory_space<vmem_shared>>, %arg15: memref<131088xi32, #tpu.memory_space<vmem_shared>>, %arg16: memref<!tpu.dma_semaphore, #tpu.memory_space<semaphore_mem>>) attributes {dimension_semantics = [#tpu.dimension_semantics<core_parallel>, #tpu.dimension_semantics<subcore_parallel>], iteration_bounds = array<i64: 2, 16>, scalar_prefetch = 0 : i64, scratch_operands = 9 : i64, tpu.core_type = #tpu.core_type<sc_vector_subcore>, window_params = [{transform_indices = #map}, {transform_indices = #map}, {transform_indices = #map}, {transform_indices = #map}, {transform_indices = #map}, {transform_indices = #map}]} {
    %mul3A = arith.constant 16384 : i32
    %mul3A_0 = arith.muli %arg1, %mul3A : i32
    %mul3A_1 = arith.constant 131072 : i32
    %mul3A_2 = arith.muli %arg0, %mul3A_1 : i32
    "tpu.region"() ({
      %run_scoped3A = tpu.sem_alloc : memref<!tpu.dma_semaphore, #tpu.memory_space<semaphore_mem>>
      tpu.enqueue_dma source(%arg5 : memref<64xi32, #tpu.memory_space<hbm>>) target(%arg13 : memref<64xi32, #tpu.memory_space<vmem>>) target_semaphore(%run_scoped3A : memref<!tpu.dma_semaphore, #tpu.memory_space<semaphore_mem>>)
      tpu.wait_dma2 semaphore(%run_scoped3A : memref<!tpu.dma_semaphore, #tpu.memory_space<semaphore_mem>>) src(%arg5 : memref<64xi32, #tpu.memory_space<hbm>>) dst(%arg13 : memref<64xi32, #tpu.memory_space<vmem>>)
      tpu.yield
    }) : () -> ()
    "tpu.region"() ({
      %run_scoped3A = tpu.sem_alloc : memref<!tpu.dma_semaphore, #tpu.memory_space<semaphore_mem>>
      %dma_start3A_21 = tpu.memref_slice %arg3[%mul3A_0] : memref<262144xi32, #tpu.memory_space<hbm>> -> memref<16384xi32, #tpu.memory_space<hbm>>
      %dma_start3A_22 = tpu.memref_slice %arg3[%mul3A_0] : memref<262144xi32, #tpu.memory_space<hbm>> -> memref<16384xi32, #tpu.memory_space<hbm>>
      tpu.enqueue_dma source(%dma_start3A_22 : memref<16384xi32, #tpu.memory_space<hbm>>) target(%arg8 : memref<16384xi32, #tpu.memory_space<vmem>>) target_semaphore(%run_scoped3A : memref<!tpu.dma_semaphore, #tpu.memory_space<semaphore_mem>>)
      %dma_wait3A_23 = tpu.memref_slice %arg3[%mul3A_0] : memref<262144xi32, #tpu.memory_space<hbm>> -> memref<16384xi32, #tpu.memory_space<hbm>>
      %dma_wait3A_24 = tpu.memref_slice %arg3[%mul3A_0] : memref<262144xi32, #tpu.memory_space<hbm>> -> memref<16384xi32, #tpu.memory_space<hbm>>
      tpu.wait_dma2 semaphore(%run_scoped3A : memref<!tpu.dma_semaphore, #tpu.memory_space<semaphore_mem>>) src(%dma_wait3A_24 : memref<16384xi32, #tpu.memory_space<hbm>>) dst(%arg8 : memref<16384xi32, #tpu.memory_space<vmem>>)
      tpu.yield
    }) : () -> ()
    "tpu.region"() ({
      %run_scoped3A = tpu.sem_alloc : memref<!tpu.dma_semaphore, #tpu.memory_space<semaphore_mem>>
      %dma_start3A_21 = tpu.memref_slice %arg4[%mul3A_0] : memref<262144xi32, #tpu.memory_space<hbm>> -> memref<16384xi32, #tpu.memory_space<hbm>>
      %dma_start3A_22 = tpu.memref_slice %arg4[%mul3A_0] : memref<262144xi32, #tpu.memory_space<hbm>> -> memref<16384xi32, #tpu.memory_space<hbm>>
      tpu.enqueue_dma source(%dma_start3A_22 : memref<16384xi32, #tpu.memory_space<hbm>>) target(%arg9 : memref<16384xi32, #tpu.memory_space<vmem>>) target_semaphore(%run_scoped3A : memref<!tpu.dma_semaphore, #tpu.memory_space<semaphore_mem>>)
      %dma_wait3A_23 = tpu.memref_slice %arg4[%mul3A_0] : memref<262144xi32, #tpu.memory_space<hbm>> -> memref<16384xi32, #tpu.memory_space<hbm>>
      %dma_wait3A_24 = tpu.memref_slice %arg4[%mul3A_0] : memref<262144xi32, #tpu.memory_space<hbm>> -> memref<16384xi32, #tpu.memory_space<hbm>>
      tpu.wait_dma2 semaphore(%run_scoped3A : memref<!tpu.dma_semaphore, #tpu.memory_space<semaphore_mem>>) src(%dma_wait3A_24 : memref<16384xi32, #tpu.memory_space<hbm>>) dst(%arg9 : memref<16384xi32, #tpu.memory_space<vmem>>)
      tpu.yield
    }) : () -> ()
    "tpu.region"() ({
      %run_scoped3A = tpu.sem_alloc : memref<!tpu.dma_semaphore, #tpu.memory_space<semaphore_mem>>
      %dma_start3A_21 = tpu.memref_slice %arg2[%mul3A_0] : memref<262144xf32, #tpu.memory_space<hbm>> -> memref<16384xf32, #tpu.memory_space<hbm>>
      %dma_start3A_22 = tpu.memref_slice %arg2[%mul3A_0] : memref<262144xf32, #tpu.memory_space<hbm>> -> memref<16384xf32, #tpu.memory_space<hbm>>
      tpu.enqueue_dma source(%dma_start3A_22 : memref<16384xf32, #tpu.memory_space<hbm>>) target(%arg10 : memref<16384xf32, #tpu.memory_space<vmem>>) target_semaphore(%run_scoped3A : memref<!tpu.dma_semaphore, #tpu.memory_space<semaphore_mem>>)
      %dma_wait3A_23 = tpu.memref_slice %arg2[%mul3A_0] : memref<262144xf32, #tpu.memory_space<hbm>> -> memref<16384xf32, #tpu.memory_space<hbm>>
      %dma_wait3A_24 = tpu.memref_slice %arg2[%mul3A_0] : memref<262144xf32, #tpu.memory_space<hbm>> -> memref<16384xf32, #tpu.memory_space<hbm>>
      tpu.wait_dma2 semaphore(%run_scoped3A : memref<!tpu.dma_semaphore, #tpu.memory_space<semaphore_mem>>) src(%dma_wait3A_24 : memref<16384xf32, #tpu.memory_space<hbm>>) dst(%arg10 : memref<16384xf32, #tpu.memory_space<vmem>>)
      tpu.yield
    }) : () -> ()
    %iota3A = tpu.iota {dimensions = array<i32: 0>} : vector<16xi32>
    %add3A = arith.constant 131072 : i32
    %add3A_3 = vector.broadcast %add3A : i32 to vector<16xi32>
    %add3A_4 = arith.addi %add3A_3, %iota3A : vector<16xi32>
    %scan3A = arith.constant 0 : i32
    %scan3A_5 = arith.constant 0 : i32
    %scan3A_6 = arith.constant 128 : i32
    %scan3A_7 = arith.addi %scan3A_5, %scan3A_6 : i32
    %scan3A_8 = arith.constant 1 : i32
    scf.for %scan3A_21 = %scan3A_5 to %scan3A_7 step %scan3A_8  : i32 {
      %mul3A_22 = arith.constant 128 : i32
      %mul3A_23 = arith.muli %scan3A_21, %mul3A_22 : i32
      %add3A_24 = arith.constant 0 : i32
      %add3A_25 = arith.addi %mul3A_23, %add3A_24 : i32
      %get3A = arith.index_cast %add3A_25 : i32 to index
      %get3A_26 = tpu.vector_load %arg8[%get3A] {strides = array<i32>} : memref<16384xi32, #tpu.memory_space<vmem>>, vector<16xi32>,
      %get3A_27 = arith.index_cast %add3A_25 : i32 to index
      %get3A_28 = tpu.vector_load %arg9[%get3A_27] {strides = array<i32>} : memref<16384xi32, #tpu.memory_space<vmem>>, vector<16xi32>,
      %gather3A = tpu.vector_load_idx %arg13[%get3A_26] : memref<64xi32, #tpu.memory_space<vmem>>[vector<16xi32>], vector<16xi32>,
      %add3A_29 = arith.addi %gather3A, %get3A_28 : vector<16xi32>
      %sub3A = vector.broadcast %mul3A_2 : i32 to vector<16xi32>
      %sub3A_30 = arith.subi %add3A_29, %sub3A : vector<16xi32>
      %ge3A = arith.constant 0 : i32
      %ge3A_31 = vector.broadcast %ge3A : i32 to vector<16xi32>
      %ge3A_32 = arith.cmpi sge, %sub3A_30, %ge3A_31 : vector<16xi32>
      %lt3A = arith.constant 131072 : i32
      %lt3A_33 = vector.broadcast %lt3A : i32 to vector<16xi32>
      %lt3A_34 = arith.cmpi slt, %sub3A_30, %lt3A_33 : vector<16xi32>
      %and3A = arith.andi %ge3A_32, %lt3A_34 : vector<16xi1>
      %select_n3A = arith.select %and3A, %sub3A_30, %add3A_4 : vector<16xi1>, vector<16xi32>
      %swap3A = arith.index_cast %add3A_25 : i32 to index
      %swap3A_35 = tpu.vector_load %arg11[%swap3A] {strides = array<i32>} : memref<16384xi32, #tpu.memory_space<vmem>>, vector<16xi32>,
      tpu.vector_store %arg11[%swap3A], %select_n3A {strides = array<i32>} : memref<16384xi32, #tpu.memory_space<vmem>>, vector<16xi32>,
      %mul3A_36 = arith.constant 128 : i32
      %mul3A_37 = arith.muli %scan3A_21, %mul3A_36 : i32
      %add3A_38 = arith.addi %mul3A_0, %mul3A_37 : i32
      %add3A_39 = arith.constant 0 : i32
      %add3A_40 = arith.addi %add3A_38, %add3A_39 : i32
      %add3A_41 = vector.broadcast %add3A_40 : i32 to vector<16xi32>
      %add3A_42 = arith.addi %add3A_41, %iota3A : vector<16xi32>
      %and3A_43 = arith.constant 32767 : i32
      %and3A_44 = vector.broadcast %and3A_43 : i32 to vector<16xi32>
      %and3A_45 = arith.andi %add3A_42, %and3A_44 : vector<16xi32>
      %swap3A_46 = arith.index_cast %add3A_25 : i32 to index
      %swap3A_47 = tpu.vector_load %arg12[%swap3A_46] {strides = array<i32>} : memref<16384xi32, #tpu.memory_space<vmem>>, vector<16xi32>,
      tpu.vector_store %arg12[%swap3A_46], %and3A_45 {strides = array<i32>} : memref<16384xi32, #tpu.memory_space<vmem>>, vector<16xi32>,
      %mul3A_48 = arith.constant 128 : i32
      %mul3A_49 = arith.muli %scan3A_21, %mul3A_48 : i32
      %add3A_50 = arith.constant 16 : i32
      %add3A_51 = arith.addi %mul3A_49, %add3A_50 : i32
      %get3A_52 = arith.index_cast %add3A_51 : i32 to index
      %get3A_53 = tpu.vector_load %arg8[%get3A_52] {strides = array<i32>} : memref<16384xi32, #tpu.memory_space<vmem>>, vector<16xi32>,
      %get3A_54 = arith.index_cast %add3A_51 : i32 to index
      %get3A_55 = tpu.vector_load %arg9[%get3A_54] {strides = array<i32>} : memref<16384xi32, #tpu.memory_space<vmem>>, vector<16xi32>,
      %gather3A_56 = tpu.vector_load_idx %arg13[%get3A_53] : memref<64xi32, #tpu.memory_space<vmem>>[vector<16xi32>], vector<16xi32>,
      %add3A_57 = arith.addi %gather3A_56, %get3A_55 : vector<16xi32>
      %sub3A_58 = vector.broadcast %mul3A_2 : i32 to vector<16xi32>
      %sub3A_59 = arith.subi %add3A_57, %sub3A_58 : vector<16xi32>
      %ge3A_60 = arith.constant 0 : i32
      %ge3A_61 = vector.broadcast %ge3A_60 : i32 to vector<16xi32>
      %ge3A_62 = arith.cmpi sge, %sub3A_59, %ge3A_61 : vector<16xi32>
      %lt3A_63 = arith.constant 131072 : i32
      %lt3A_64 = vector.broadcast %lt3A_63 : i32 to vector<16xi32>
      %lt3A_65 = arith.cmpi slt, %sub3A_59, %lt3A_64 : vector<16xi32>
      %and3A_66 = arith.andi %ge3A_62, %lt3A_65 : vector<16xi1>
      %select_n3A_67 = arith.select %and3A_66, %sub3A_59, %add3A_4 : vector<16xi1>, vector<16xi32>
      %swap3A_68 = arith.index_cast %add3A_51 : i32 to index
      %swap3A_69 = tpu.vector_load %arg11[%swap3A_68] {strides = array<i32>} : memref<16384xi32, #tpu.memory_space<vmem>>, vector<16xi32>,
      tpu.vector_store %arg11[%swap3A_68], %select_n3A_67 {strides = array<i32>} : memref<16384xi32, #tpu.memory_space<vmem>>, vector<16xi32>,
      %mul3A_70 = arith.constant 128 : i32
      %mul3A_71 = arith.muli %scan3A_21, %mul3A_70 : i32
      %add3A_72 = arith.addi %mul3A_0, %mul3A_71 : i32
      %add3A_73 = arith.constant 16 : i32
      %add3A_74 = arith.addi %add3A_72, %add3A_73 : i32
      %add3A_75 = vector.broadcast %add3A_74 : i32 to vector<16xi32>
      %add3A_76 = arith.addi %add3A_75, %iota3A : vector<16xi32>
      %and3A_77 = arith.constant 32767 : i32
      %and3A_78 = vector.broadcast %and3A_77 : i32 to vector<16xi32>
      %and3A_79 = arith.andi %add3A_76, %and3A_78 : vector<16xi32>
      %swap3A_80 = arith.index_cast %add3A_51 : i32 to index
      %swap3A_81 = tpu.vector_load %arg12[%swap3A_80] {strides = array<i32>} : memref<16384xi32, #tpu.memory_space<vmem>>, vector<16xi32>,
      tpu.vector_store %arg12[%swap3A_80], %and3A_79 {strides = array<i32>} : memref<16384xi32, #tpu.memory_space<vmem>>, vector<16xi32>,
      %mul3A_82 = arith.constant 128 : i32
      %mul3A_83 = arith.muli %scan3A_21, %mul3A_82 : i32
      %add3A_84 = arith.constant 32 : i32
      %add3A_85 = arith.addi %mul3A_83, %add3A_84 : i32
      %get3A_86 = arith.index_cast %add3A_85 : i32 to index
      %get3A_87 = tpu.vector_load %arg8[%get3A_86] {strides = array<i32>} : memref<16384xi32, #tpu.memory_space<vmem>>, vector<16xi32>,
      %get3A_88 = arith.index_cast %add3A_85 : i32 to index
      %get3A_89 = tpu.vector_load %arg9[%get3A_88] {strides = array<i32>} : memref<16384xi32, #tpu.memory_space<vmem>>, vector<16xi32>,
      %gather3A_90 = tpu.vector_load_idx %arg13[%get3A_87] : memref<64xi32, #tpu.memory_space<vmem>>[vector<16xi32>], vector<16xi32>,
      %add3A_91 = arith.addi %gather3A_90, %get3A_89 : vector<16xi32>
      %sub3A_92 = vector.broadcast %mul3A_2 : i32 to vector<16xi32>
      %sub3A_93 = arith.subi %add3A_91, %sub3A_92 : vector<16xi32>
      %ge3A_94 = arith.constant 0 : i32
      %ge3A_95 = vector.broadcast %ge3A_94 : i32 to vector<16xi32>
      %ge3A_96 = arith.cmpi sge, %sub3A_93, %ge3A_95 : vector<16xi32>
      %lt3A_97 = arith.constant 131072 : i32
      %lt3A_98 = vector.broadcast %lt3A_97 : i32 to vector<16xi32>
      %lt3A_99 = arith.cmpi slt, %sub3A_93, %lt3A_98 : vector<16xi32>
      %and3A_100 = arith.andi %ge3A_96, %lt3A_99 : vector<16xi1>
      %select_n3A_101 = arith.select %and3A_100, %sub3A_93, %add3A_4 : vector<16xi1>, vector<16xi32>
      %swap3A_102 = arith.index_cast %add3A_85 : i32 to index
      %swap3A_103 = tpu.vector_load %arg11[%swap3A_102] {strides = array<i32>} : memref<16384xi32, #tpu.memory_space<vmem>>, vector<16xi32>,
      tpu.vector_store %arg11[%swap3A_102], %select_n3A_101 {strides = array<i32>} : memref<16384xi32, #tpu.memory_space<vmem>>, vector<16xi32>,
      %mul3A_104 = arith.constant 128 : i32
      %mul3A_105 = arith.muli %scan3A_21, %mul3A_104 : i32
      %add3A_106 = arith.addi %mul3A_0, %mul3A_105 : i32
      %add3A_107 = arith.constant 32 : i32
      %add3A_108 = arith.addi %add3A_106, %add3A_107 : i32
      %add3A_109 = vector.broadcast %add3A_108 : i32 to vector<16xi32>
      %add3A_110 = arith.addi %add3A_109, %iota3A : vector<16xi32>
      %and3A_111 = arith.constant 32767 : i32
      %and3A_112 = vector.broadcast %and3A_111 : i32 to vector<16xi32>
      %and3A_113 = arith.andi %add3A_110, %and3A_112 : vector<16xi32>
      %swap3A_114 = arith.index_cast %add3A_85 : i32 to index
      %swap3A_115 = tpu.vector_load %arg12[%swap3A_114] {strides = array<i32>} : memref<16384xi32, #tpu.memory_space<vmem>>, vector<16xi32>,
      tpu.vector_store %arg12[%swap3A_114], %and3A_113 {strides = array<i32>} : memref<16384xi32, #tpu.memory_space<vmem>>, vector<16xi32>,
      %mul3A_116 = arith.constant 128 : i32
      %mul3A_117 = arith.muli %scan3A_21, %mul3A_116 : i32
      %add3A_118 = arith.constant 48 : i32
      %add3A_119 = arith.addi %mul3A_117, %add3A_118 : i32
      %get3A_120 = arith.index_cast %add3A_119 : i32 to index
      %get3A_121 = tpu.vector_load %arg8[%get3A_120] {strides = array<i32>} : memref<16384xi32, #tpu.memory_space<vmem>>, vector<16xi32>,
      %get3A_122 = arith.index_cast %add3A_119 : i32 to index
      %get3A_123 = tpu.vector_load %arg9[%get3A_122] {strides = array<i32>} : memref<16384xi32, #tpu.memory_space<vmem>>, vector<16xi32>,
      %gather3A_124 = tpu.vector_load_idx %arg13[%get3A_121] : memref<64xi32, #tpu.memory_space<vmem>>[vector<16xi32>], vector<16xi32>,
      %add3A_125 = arith.addi %gather3A_124, %get3A_123 : vector<16xi32>
      %sub3A_126 = vector.broadcast %mul3A_2 : i32 to vector<16xi32>
      %sub3A_127 = arith.subi %add3A_125, %sub3A_126 : vector<16xi32>
      %ge3A_128 = arith.constant 0 : i32
      %ge3A_129 = vector.broadcast %ge3A_128 : i32 to vector<16xi32>
      %ge3A_130 = arith.cmpi sge, %sub3A_127, %ge3A_129 : vector<16xi32>
      %lt3A_131 = arith.constant 131072 : i32
      %lt3A_132 = vector.broadcast %lt3A_131 : i32 to vector<16xi32>
      %lt3A_133 = arith.cmpi slt, %sub3A_127, %lt3A_132 : vector<16xi32>
      %and3A_134 = arith.andi %ge3A_130, %lt3A_133 : vector<16xi1>
      %select_n3A_135 = arith.select %and3A_134, %sub3A_127, %add3A_4 : vector<16xi1>, vector<16xi32>
      %swap3A_136 = arith.index_cast %add3A_119 : i32 to index
      %swap3A_137 = tpu.vector_load %arg11[%swap3A_136] {strides = array<i32>} : memref<16384xi32, #tpu.memory_space<vmem>>, vector<16xi32>,
      tpu.vector_store %arg11[%swap3A_136], %select_n3A_135 {strides = array<i32>} : memref<16384xi32, #tpu.memory_space<vmem>>, vector<16xi32>,
      %mul3A_138 = arith.constant 128 : i32
      %mul3A_139 = arith.muli %scan3A_21, %mul3A_138 : i32
      %add3A_140 = arith.addi %mul3A_0, %mul3A_139 : i32
      %add3A_141 = arith.constant 48 : i32
      %add3A_142 = arith.addi %add3A_140, %add3A_141 : i32
      %add3A_143 = vector.broadcast %add3A_142 : i32 to vector<16xi32>
      %add3A_144 = arith.addi %add3A_143, %iota3A : vector<16xi32>
      %and3A_145 = arith.constant 32767 : i32
      %and3A_146 = vector.broadcast %and3A_145 : i32 to vector<16xi32>
      %and3A_147 = arith.andi %add3A_144, %and3A_146 : vector<16xi32>
      %swap3A_148 = arith.index_cast %add3A_119 : i32 to index
      %swap3A_149 = tpu.vector_load %arg12[%swap3A_148] {strides = array<i32>} : memref<16384xi32, #tpu.memory_space<vmem>>, vector<16xi32>,
      tpu.vector_store %arg12[%swap3A_148], %and3A_147 {strides = array<i32>} : memref<16384xi32, #tpu.memory_space<vmem>>, vector<16xi32>,
      %mul3A_150 = arith.constant 128 : i32
      %mul3A_151 = arith.muli %scan3A_21, %mul3A_150 : i32
      %add3A_152 = arith.constant 64 : i32
      %add3A_153 = arith.addi %mul3A_151, %add3A_152 : i32
      %get3A_154 = arith.index_cast %add3A_153 : i32 to index
      %get3A_155 = tpu.vector_load %arg8[%get3A_154] {strides = array<i32>} : memref<16384xi32, #tpu.memory_space<vmem>>, vector<16xi32>,
      %get3A_156 = arith.index_cast %add3A_153 : i32 to index
      %get3A_157 = tpu.vector_load %arg9[%get3A_156] {strides = array<i32>} : memref<16384xi32, #tpu.memory_space<vmem>>, vector<16xi32>,
      %gather3A_158 = tpu.vector_load_idx %arg13[%get3A_155] : memref<64xi32, #tpu.memory_space<vmem>>[vector<16xi32>], vector<16xi32>,
      %add3A_159 = arith.addi %gather3A_158, %get3A_157 : vector<16xi32>
      %sub3A_160 = vector.broadcast %mul3A_2 : i32 to vector<16xi32>
      %sub3A_161 = arith.subi %add3A_159, %sub3A_160 : vector<16xi32>
      %ge3A_162 = arith.constant 0 : i32
      %ge3A_163 = vector.broadcast %ge3A_162 : i32 to vector<16xi32>
      %ge3A_164 = arith.cmpi sge, %sub3A_161, %ge3A_163 : vector<16xi32>
      %lt3A_165 = arith.constant 131072 : i32
      %lt3A_166 = vector.broadcast %lt3A_165 : i32 to vector<16xi32>
      %lt3A_167 = arith.cmpi slt, %sub3A_161, %lt3A_166 : vector<16xi32>
      %and3A_168 = arith.andi %ge3A_164, %lt3A_167 : vector<16xi1>
      %select_n3A_169 = arith.select %and3A_168, %sub3A_161, %add3A_4 : vector<16xi1>, vector<16xi32>
      %swap3A_170 = arith.index_cast %add3A_153 : i32 to index
      %swap3A_171 = tpu.vector_load %arg11[%swap3A_170] {strides = array<i32>} : memref<16384xi32, #tpu.memory_space<vmem>>, vector<16xi32>,
      tpu.vector_store %arg11[%swap3A_170], %select_n3A_169 {strides = array<i32>} : memref<16384xi32, #tpu.memory_space<vmem>>, vector<16xi32>,
      %mul3A_172 = arith.constant 128 : i32
      %mul3A_173 = arith.muli %scan3A_21, %mul3A_172 : i32
      %add3A_174 = arith.addi %mul3A_0, %mul3A_173 : i32
      %add3A_175 = arith.constant 64 : i32
      %add3A_176 = arith.addi %add3A_174, %add3A_175 : i32
      %add3A_177 = vector.broadcast %add3A_176 : i32 to vector<16xi32>
      %add3A_178 = arith.addi %add3A_177, %iota3A : vector<16xi32>
      %and3A_179 = arith.constant 32767 : i32
      %and3A_180 = vector.broadcast %and3A_179 : i32 to vector<16xi32>
      %and3A_181 = arith.andi %add3A_178, %and3A_180 : vector<16xi32>
      %swap3A_182 = arith.index_cast %add3A_153 : i32 to index
      %swap3A_183 = tpu.vector_load %arg12[%swap3A_182] {strides = array<i32>} : memref<16384xi32, #tpu.memory_space<vmem>>, vector<16xi32>,
      tpu.vector_store %arg12[%swap3A_182], %and3A_181 {strides = array<i32>} : memref<16384xi32, #tpu.memory_space<vmem>>, vector<16xi32>,
      %mul3A_184 = arith.constant 128 : i32
      %mul3A_185 = arith.muli %scan3A_21, %mul3A_184 : i32
      %add3A_186 = arith.constant 80 : i32
      %add3A_187 = arith.addi %mul3A_185, %add3A_186 : i32
      %get3A_188 = arith.index_cast %add3A_187 : i32 to index
      %get3A_189 = tpu.vector_load %arg8[%get3A_188] {strides = array<i32>} : memref<16384xi32, #tpu.memory_space<vmem>>, vector<16xi32>,
      %get3A_190 = arith.index_cast %add3A_187 : i32 to index
      %get3A_191 = tpu.vector_load %arg9[%get3A_190] {strides = array<i32>} : memref<16384xi32, #tpu.memory_space<vmem>>, vector<16xi32>,
      %gather3A_192 = tpu.vector_load_idx %arg13[%get3A_189] : memref<64xi32, #tpu.memory_space<vmem>>[vector<16xi32>], vector<16xi32>,
      %add3A_193 = arith.addi %gather3A_192, %get3A_191 : vector<16xi32>
      %sub3A_194 = vector.broadcast %mul3A_2 : i32 to vector<16xi32>
      %sub3A_195 = arith.subi %add3A_193, %sub3A_194 : vector<16xi32>
      %ge3A_196 = arith.constant 0 : i32
      %ge3A_197 = vector.broadcast %ge3A_196 : i32 to vector<16xi32>
      %ge3A_198 = arith.cmpi sge, %sub3A_195, %ge3A_197 : vector<16xi32>
      %lt3A_199 = arith.constant 131072 : i32
      %lt3A_200 = vector.broadcast %lt3A_199 : i32 to vector<16xi32>
      %lt3A_201 = arith.cmpi slt, %sub3A_195, %lt3A_200 : vector<16xi32>
      %and3A_202 = arith.andi %ge3A_198, %lt3A_201 : vector<16xi1>
      %select_n3A_203 = arith.select %and3A_202, %sub3A_195, %add3A_4 : vector<16xi1>, vector<16xi32>
      %swap3A_204 = arith.index_cast %add3A_187 : i32 to index
      %swap3A_205 = tpu.vector_load %arg11[%swap3A_204] {strides = array<i32>} : memref<16384xi32, #tpu.memory_space<vmem>>, vector<16xi32>,
      tpu.vector_store %arg11[%swap3A_204], %select_n3A_203 {strides = array<i32>} : memref<16384xi32, #tpu.memory_space<vmem>>, vector<16xi32>,
      %mul3A_206 = arith.constant 128 : i32
      %mul3A_207 = arith.muli %scan3A_21, %mul3A_206 : i32
      %add3A_208 = arith.addi %mul3A_0, %mul3A_207 : i32
      %add3A_209 = arith.constant 80 : i32
      %add3A_210 = arith.addi %add3A_208, %add3A_209 : i32
      %add3A_211 = vector.broadcast %add3A_210 : i32 to vector<16xi32>
      %add3A_212 = arith.addi %add3A_211, %iota3A : vector<16xi32>
      %and3A_213 = arith.constant 32767 : i32
      %and3A_214 = vector.broadcast %and3A_213 : i32 to vector<16xi32>
      %and3A_215 = arith.andi %add3A_212, %and3A_214 : vector<16xi32>
      %swap3A_216 = arith.index_cast %add3A_187 : i32 to index
      %swap3A_217 = tpu.vector_load %arg12[%swap3A_216] {strides = array<i32>} : memref<16384xi32, #tpu.memory_space<vmem>>, vector<16xi32>,
      tpu.vector_store %arg12[%swap3A_216], %and3A_215 {strides = array<i32>} : memref<16384xi32, #tpu.memory_space<vmem>>, vector<16xi32>,
      %mul3A_218 = arith.constant 128 : i32
      %mul3A_219 = arith.muli %scan3A_21, %mul3A_218 : i32
      %add3A_220 = arith.constant 96 : i32
      %add3A_221 = arith.addi %mul3A_219, %add3A_220 : i32
      %get3A_222 = arith.index_cast %add3A_221 : i32 to index
      %get3A_223 = tpu.vector_load %arg8[%get3A_222] {strides = array<i32>} : memref<16384xi32, #tpu.memory_space<vmem>>, vector<16xi32>,
      %get3A_224 = arith.index_cast %add3A_221 : i32 to index
      %get3A_225 = tpu.vector_load %arg9[%get3A_224] {strides = array<i32>} : memref<16384xi32, #tpu.memory_space<vmem>>, vector<16xi32>,
      %gather3A_226 = tpu.vector_load_idx %arg13[%get3A_223] : memref<64xi32, #tpu.memory_space<vmem>>[vector<16xi32>], vector<16xi32>,
      %add3A_227 = arith.addi %gather3A_226, %get3A_225 : vector<16xi32>
      %sub3A_228 = vector.broadcast %mul3A_2 : i32 to vector<16xi32>
      %sub3A_229 = arith.subi %add3A_227, %sub3A_228 : vector<16xi32>
      %ge3A_230 = arith.constant 0 : i32
      %ge3A_231 = vector.broadcast %ge3A_230 : i32 to vector<16xi32>
      %ge3A_232 = arith.cmpi sge, %sub3A_229, %ge3A_231 : vector<16xi32>
      %lt3A_233 = arith.constant 131072 : i32
      %lt3A_234 = vector.broadcast %lt3A_233 : i32 to vector<16xi32>
      %lt3A_235 = arith.cmpi slt, %sub3A_229, %lt3A_234 : vector<16xi32>
      %and3A_236 = arith.andi %ge3A_232, %lt3A_235 : vector<16xi1>
      %select_n3A_237 = arith.select %and3A_236, %sub3A_229, %add3A_4 : vector<16xi1>, vector<16xi32>
      %swap3A_238 = arith.index_cast %add3A_221 : i32 to index
      %swap3A_239 = tpu.vector_load %arg11[%swap3A_238] {strides = array<i32>} : memref<16384xi32, #tpu.memory_space<vmem>>, vector<16xi32>,
      tpu.vector_store %arg11[%swap3A_238], %select_n3A_237 {strides = array<i32>} : memref<16384xi32, #tpu.memory_space<vmem>>, vector<16xi32>,
      %mul3A_240 = arith.constant 128 : i32
      %mul3A_241 = arith.muli %scan3A_21, %mul3A_240 : i32
      %add3A_242 = arith.addi %mul3A_0, %mul3A_241 : i32
      %add3A_243 = arith.constant 96 : i32
      %add3A_244 = arith.addi %add3A_242, %add3A_243 : i32
      %add3A_245 = vector.broadcast %add3A_244 : i32 to vector<16xi32>
      %add3A_246 = arith.addi %add3A_245, %iota3A : vector<16xi32>
      %and3A_247 = arith.constant 32767 : i32
      %and3A_248 = vector.broadcast %and3A_247 : i32 to vector<16xi32>
      %and3A_249 = arith.andi %add3A_246, %and3A_248 : vector<16xi32>
      %swap3A_250 = arith.index_cast %add3A_221 : i32 to index
      %swap3A_251 = tpu.vector_load %arg12[%swap3A_250] {strides = array<i32>} : memref<16384xi32, #tpu.memory_space<vmem>>, vector<16xi32>,
      tpu.vector_store %arg12[%swap3A_250], %and3A_249 {strides = array<i32>} : memref<16384xi32, #tpu.memory_space<vmem>>, vector<16xi32>,
      %mul3A_252 = arith.constant 128 : i32
      %mul3A_253 = arith.muli %scan3A_21, %mul3A_252 : i32
      %add3A_254 = arith.constant 112 : i32
      %add3A_255 = arith.addi %mul3A_253, %add3A_254 : i32
      %get3A_256 = arith.index_cast %add3A_255 : i32 to index
      %get3A_257 = tpu.vector_load %arg8[%get3A_256] {strides = array<i32>} : memref<16384xi32, #tpu.memory_space<vmem>>, vector<16xi32>,
      %get3A_258 = arith.index_cast %add3A_255 : i32 to index
      %get3A_259 = tpu.vector_load %arg9[%get3A_258] {strides = array<i32>} : memref<16384xi32, #tpu.memory_space<vmem>>, vector<16xi32>,
      %gather3A_260 = tpu.vector_load_idx %arg13[%get3A_257] : memref<64xi32, #tpu.memory_space<vmem>>[vector<16xi32>], vector<16xi32>,
      %add3A_261 = arith.addi %gather3A_260, %get3A_259 : vector<16xi32>
      %sub3A_262 = vector.broadcast %mul3A_2 : i32 to vector<16xi32>
      %sub3A_263 = arith.subi %add3A_261, %sub3A_262 : vector<16xi32>
      %ge3A_264 = arith.constant 0 : i32
      %ge3A_265 = vector.broadcast %ge3A_264 : i32 to vector<16xi32>
      %ge3A_266 = arith.cmpi sge, %sub3A_263, %ge3A_265 : vector<16xi32>
      %lt3A_267 = arith.constant 131072 : i32
      %lt3A_268 = vector.broadcast %lt3A_267 : i32 to vector<16xi32>
      %lt3A_269 = arith.cmpi slt, %sub3A_263, %lt3A_268 : vector<16xi32>
      %and3A_270 = arith.andi %ge3A_266, %lt3A_269 : vector<16xi1>
      %select_n3A_271 = arith.select %and3A_270, %sub3A_263, %add3A_4 : vector<16xi1>, vector<16xi32>
      %swap3A_272 = arith.index_cast %add3A_255 : i32 to index
      %swap3A_273 = tpu.vector_load %arg11[%swap3A_272] {strides = array<i32>} : memref<16384xi32, #tpu.memory_space<vmem>>, vector<16xi32>,
      tpu.vector_store %arg11[%swap3A_272], %select_n3A_271 {strides = array<i32>} : memref<16384xi32, #tpu.memory_space<vmem>>, vector<16xi32>,
      %mul3A_274 = arith.constant 128 : i32
      %mul3A_275 = arith.muli %scan3A_21, %mul3A_274 : i32
      %add3A_276 = arith.addi %mul3A_0, %mul3A_275 : i32
      %add3A_277 = arith.constant 112 : i32
      %add3A_278 = arith.addi %add3A_276, %add3A_277 : i32
      %add3A_279 = vector.broadcast %add3A_278 : i32 to vector<16xi32>
      %add3A_280 = arith.addi %add3A_279, %iota3A : vector<16xi32>
      %and3A_281 = arith.constant 32767 : i32
      %and3A_282 = vector.broadcast %and3A_281 : i32 to vector<16xi32>
      %and3A_283 = arith.andi %add3A_280, %and3A_282 : vector<16xi32>
      %swap3A_284 = arith.index_cast %add3A_255 : i32 to index
      %swap3A_285 = tpu.vector_load %arg12[%swap3A_284] {strides = array<i32>} : memref<16384xi32, #tpu.memory_space<vmem>>, vector<16xi32>,
      tpu.vector_store %arg12[%swap3A_284], %and3A_283 {strides = array<i32>} : memref<16384xi32, #tpu.memory_space<vmem>>, vector<16xi32>,
    }
    %scan3A_9 = arith.constant 128 : i32
    %dma_start3A = arith.constant 0 : i32
    %dma_start3A_10 = tpu.memref_slice %arg14[%dma_start3A] : memref<131088xf32, #tpu.memory_space<vmem_shared>> -> memref<131088xf32, #tpu.memory_space<vmem_shared>>
    tpu.enqueue_indirect_dma source(%arg10 : memref<16384xf32, #tpu.memory_space<vmem>>) target(%dma_start3A_10 : memref<131088xf32, #tpu.memory_space<vmem_shared>>) offsets(%arg11 : memref<16384xi32, #tpu.memory_space<vmem>>) semaphore(%arg16 : memref<!tpu.dma_semaphore, #tpu.memory_space<semaphore_mem>>)
    %dma_start3A_11 = arith.constant 0 : i32
    %dma_start3A_12 = tpu.memref_slice %arg15[%dma_start3A_11] : memref<131088xi32, #tpu.memory_space<vmem_shared>> -> memref<131088xi32, #tpu.memory_space<vmem_shared>>
    tpu.enqueue_indirect_dma source(%arg12 : memref<16384xi32, #tpu.memory_space<vmem>>) target(%dma_start3A_12 : memref<131088xi32, #tpu.memory_space<vmem_shared>>) offsets(%arg11 : memref<16384xi32, #tpu.memory_space<vmem>>) semaphore(%arg16 : memref<!tpu.dma_semaphore, #tpu.memory_space<semaphore_mem>>)
    %dma_wait3A = arith.constant 0 : i32
    %dma_wait3A_13 = tpu.memref_slice %arg14[%dma_wait3A] : memref<131088xf32, #tpu.memory_space<vmem_shared>> -> memref<131088xf32, #tpu.memory_space<vmem_shared>>
    tpu.wait_indirect_dma semaphore(%arg16 : memref<!tpu.dma_semaphore, #tpu.memory_space<semaphore_mem>>) src(%arg10 : memref<16384xf32, #tpu.memory_space<vmem>>) dst(%dma_wait3A_13 : memref<131088xf32, #tpu.memory_space<vmem_shared>>)
    %dma_wait3A_14 = arith.constant 0 : i32
    %dma_wait3A_15 = tpu.memref_slice %arg15[%dma_wait3A_14] : memref<131088xi32, #tpu.memory_space<vmem_shared>> -> memref<131088xi32, #tpu.memory_space<vmem_shared>>
    tpu.wait_indirect_dma semaphore(%arg16 : memref<!tpu.dma_semaphore, #tpu.memory_space<semaphore_mem>>) src(%arg12 : memref<16384xi32, #tpu.memory_space<vmem>>) dst(%dma_wait3A_15 : memref<131088xi32, #tpu.memory_space<vmem_shared>>)
    %barrier3A = arith.constant 0 : index
    tpu.barrier barrier_id(%barrier3A)
    %mul3A_16 = arith.constant 8192 : i32
    %mul3A_17 = arith.muli %arg1, %mul3A_16 : i32
    %mul3A_18 = arith.constant 8192 : i32
    %mul3A_19 = arith.muli %arg1, %mul3A_18 : i32
    %add3A_20 = arith.addi %mul3A_2, %mul3A_19 : i32
    "tpu.region"() ({
      %run_scoped3A = tpu.sem_alloc : memref<!tpu.dma_semaphore, #tpu.memory_space<semaphore_mem>>
      %dma_start3A_21 = tpu.memref_slice %arg6[%add3A_20] : memref<262144xf32, #tpu.memory_space<hbm>> -> memref<8192xf32, #tpu.memory_space<hbm>>
      %dma_start3A_22 = tpu.memref_slice %arg14[%mul3A_17] : memref<131088xf32, #tpu.memory_space<vmem_shared>> -> memref<8192xf32, #tpu.memory_space<vmem_shared>>
      tpu.enqueue_dma source(%dma_start3A_22 : memref<8192xf32, #tpu.memory_space<vmem_shared>>) target(%dma_start3A_21 : memref<8192xf32, #tpu.memory_space<hbm>>) target_semaphore(%run_scoped3A : memref<!tpu.dma_semaphore, #tpu.memory_space<semaphore_mem>>)
      %dma_wait3A_23 = tpu.memref_slice %arg6[%add3A_20] : memref<262144xf32, #tpu.memory_space<hbm>> -> memref<8192xf32, #tpu.memory_space<hbm>>
      %dma_wait3A_24 = tpu.memref_slice %arg14[%mul3A_17] : memref<131088xf32, #tpu.memory_space<vmem_shared>> -> memref<8192xf32, #tpu.memory_space<vmem_shared>>
      tpu.wait_dma2 semaphore(%run_scoped3A : memref<!tpu.dma_semaphore, #tpu.memory_space<semaphore_mem>>) src(%dma_wait3A_24 : memref<8192xf32, #tpu.memory_space<vmem_shared>>) dst(%dma_wait3A_23 : memref<8192xf32, #tpu.memory_space<hbm>>)
      tpu.yield
    }) : () -> ()
    "tpu.region"() ({
      %run_scoped3A = tpu.sem_alloc : memref<!tpu.dma_semaphore, #tpu.memory_space<semaphore_mem>>
      %dma_start3A_21 = tpu.memref_slice %arg7[%add3A_20] : memref<262144xi32, #tpu.memory_space<hbm>> -> memref<8192xi32, #tpu.memory_space<hbm>>
      %dma_start3A_22 = tpu.memref_slice %arg15[%mul3A_17] : memref<131088xi32, #tpu.memory_space<vmem_shared>> -> memref<8192xi32, #tpu.memory_space<vmem_shared>>
      tpu.enqueue_dma source(%dma_start3A_22 : memref<8192xi32, #tpu.memory_space<vmem_shared>>) target(%dma_start3A_21 : memref<8192xi32, #tpu.memory_space<hbm>>) target_semaphore(%run_scoped3A : memref<!tpu.dma_semaphore, #tpu.memory_space<semaphore_mem>>)
      %dma_wait3A_23 = tpu.memref_slice %arg7[%add3A_20] : memref<262144xi32, #tpu.memory_space<hbm>> -> memref<8192xi32, #tpu.memory_space<hbm>>
      %dma_wait3A_24 = tpu.memref_slice %arg15[%mul3A_17] : memref<131088xi32, #tpu.memory_space<vmem_shared>> -> memref<8192xi32, #tpu.memory_space<vmem_shared>>
      tpu.wait_dma2 semaphore(%run_scoped3A : memref<!tpu.dma_semaphore, #tpu.memory_space<semaphore_mem>>) src(%dma_wait3A_24 : memref<8192xi32, #tpu.memory_space<vmem_shared>>) dst(%dma_wait3A_23 : memref<8192xi32, #tpu.memory_space<hbm>>)
      tpu.yield
    }) : () -> ()
    return
  }
}

module attributes {stable_mosaic.version = 14 : i64} {
  func.func @_router_tc_body(%arg0: i32, %arg1: memref<256x768xf32, #tpu.memory_space<vmem>>, %arg2: memref<64x768xf32, #tpu.memory_space<vmem>>, %arg3: memref<8x256xf32, #tpu.memory_space<vmem>>, %arg4: memref<8x256xi32, #tpu.memory_space<vmem>>, %arg5: memref<8x256xi32, #tpu.memory_space<vmem>>, %arg6: memref<64x128xf32, #tpu.memory_space<vmem>>, %arg7: memref<64x128xi32, #tpu.memory_space<vmem>>, %arg8: memref<64x1xf32, #tpu.memory_space<vmem>>, %arg9: memref<256x256xf32, #tpu.memory_space<vmem>>) attributes {dimension_semantics = [#tpu.dimension_semantics<arbitrary>], iteration_bounds = array<i64: 128>, scalar_prefetch = 0 : i64, scratch_operands = 2 : i64, tpu.core_type = #tpu.core_type<tc>, window_params = [{transform_indices = @transform_0, window_bounds = array<i64: 256, 768>}, {pipeline_mode = #tpu.pipeline_mode<synchronous>, transform_indices = @transform_1, window_bounds = array<i64: 64, 768>}, {transform_indices = @transform_2, window_bounds = array<i64: 8, 256>}, {transform_indices = @transform_3, window_bounds = array<i64: 8, 256>}, {transform_indices = @transform_4, window_bounds = array<i64: 8, 256>}, {pipeline_mode = #tpu.pipeline_mode<synchronous>, transform_indices = @transform_5, window_bounds = array<i64: 64, 128>}, {pipeline_mode = #tpu.pipeline_mode<synchronous>, transform_indices = @transform_6, window_bounds = array<i64: 64, 128>}]} {
    %eq3A = arith.constant 0 : i32
    %eq3A_0 = arith.cmpi eq, %arg0, %eq3A : i32
    %convert_element_type3A = arith.extui %eq3A_0 : i1 to i32
    %cond3A = arith.constant 0 : i32
    %cond3A_1 = arith.cmpi ne, %convert_element_type3A, %cond3A : i32
    scf.if %cond3A_1 {
      %broadcast_in_dim3A_226 = arith.constant 0.000000e+00 : f32
      %broadcast_in_dim3A_227 = vector.broadcast %broadcast_in_dim3A_226 : f32 to vector<64x1xf32>
      %swap3A_228 = arith.constant 0 : index
      %swap3A_229 = arith.constant 0 : index
      %swap3A_230 = vector.load %arg8[%swap3A_228, %swap3A_229] : memref<64x1xf32, #tpu.memory_space<vmem>>, vector<64x1xf32>
      tpu.vector_store %arg8[%swap3A_228, %swap3A_229], %broadcast_in_dim3A_227 {strides = array<i32>} : memref<64x1xf32, #tpu.memory_space<vmem>>, vector<64x1xf32>,
      %iota3A_231 = tpu.iota {dimensions = array<i32: 0>} : vector<256x256xi32>
      %iota3A_232 = tpu.iota {dimensions = array<i32: 1>} : vector<256x256xi32>
      %lt3A = arith.cmpi slt, %iota3A_231, %iota3A_232 : vector<256x256xi32>
      %convert_element_type3A_233 = arith.extui %lt3A : vector<256x256xi1> to vector<256x256xi32>
      %convert_element_type3A_234 = arith.sitofp %convert_element_type3A_233 : vector<256x256xi32> to vector<256x256xf32>
      %swap3A_235 = arith.constant 0 : index
      %swap3A_236 = arith.constant 0 : index
      %swap3A_237 = vector.load %arg9[%swap3A_235, %swap3A_236] : memref<256x256xf32, #tpu.memory_space<vmem>>, vector<256x256xf32>
      tpu.vector_store %arg9[%swap3A_235, %swap3A_236], %convert_element_type3A_234 {strides = array<i32>} : memref<256x256xf32, #tpu.memory_space<vmem>>, vector<256x256xf32>,
    } else {
    }
    %get3A = arith.constant 0 : index
    %get3A_2 = arith.constant 0 : index
    %get3A_3 = vector.load %arg2[%get3A, %get3A_2] : memref<64x768xf32, #tpu.memory_space<vmem>>, vector<64x768xf32>
    %get3A_4 = arith.constant 0 : index
    %get3A_5 = arith.constant 0 : index
    %get3A_6 = vector.load %arg1[%get3A_4, %get3A_5] : memref<256x768xf32, #tpu.memory_space<vmem>>, vector<256x768xf32>
    %dot_general3A = arith.constant dense<0.000000e+00> : vector<64x256xf32>
    %dot_general3A_7 = tpu.matmul %get3A_3, %get3A_6, %dot_general3A {dimension_numbers = #tpu.dot_dimension_numbers<[1], [1], [0], [0], [0, 0, 1, 0], [], []>, transpose_lhs_hint = false} : vector<64x768xf32>, vector<256x768xf32>, vector<64x256xf32> -> vector<64x256xf32>
    %reduce_max3A = arith.constant dense<0xFF800000> : vector<256xf32>
    %reduce_max3A_8 = vector.multi_reduction <maximumf>, %dot_general3A_7, %reduce_max3A [0] : vector<64x256xf32> to vector<256xf32>
    %broadcast_in_dim3A = vector.shape_cast %reduce_max3A_8 : vector<256xf32> to vector<1x256xf32>
    %sub3A = vector.broadcast %broadcast_in_dim3A : vector<1x256xf32> to vector<64x256xf32>
    %sub3A_9 = arith.subf %dot_general3A_7, %sub3A : vector<64x256xf32>
    %exp3A = math.exp %sub3A_9 : vector<64x256xf32>
    %reduce_sum3A = arith.constant dense<0.000000e+00> : vector<256xf32>
    %reduce_sum3A_10 = vector.multi_reduction <add>, %exp3A, %reduce_sum3A [0] : vector<64x256xf32> to vector<256xf32>
    %broadcast_in_dim3A_11 = vector.shape_cast %reduce_sum3A_10 : vector<256xf32> to vector<1x256xf32>
    %div3A = vector.broadcast %broadcast_in_dim3A_11 : vector<1x256xf32> to vector<64x256xf32>
    %div3A_12 = arith.divf %exp3A, %div3A : vector<64x256xf32>
    %iota3A = tpu.iota {dimensions = array<i32: 0>} : vector<64x256xi32>
    %reduce_max3A_13 = arith.constant dense<0xFF800000> : vector<256xf32>
    %reduce_max3A_14 = vector.multi_reduction <maximumf>, %div3A_12, %reduce_max3A_13 [0] : vector<64x256xf32> to vector<256xf32>
    %broadcast_in_dim3A_15 = vector.shape_cast %reduce_max3A_14 : vector<256xf32> to vector<1x256xf32>
    %eq3A_16 = vector.broadcast %broadcast_in_dim3A_15 : vector<1x256xf32> to vector<64x256xf32>
    %eq3A_17 = arith.cmpf oeq, %div3A_12, %eq3A_16 : vector<64x256xf32>
    %jit3A = arith.constant 64 : i32
    %broadcast_in_dim3A_18 = vector.broadcast %jit3A : i32 to vector<64x256xi32>
    %select_n3A = arith.select %eq3A_17, %iota3A, %broadcast_in_dim3A_18 : vector<64x256xi1>, vector<64x256xi32>
    %reduce_min3A = arith.constant dense<2147483647> : vector<256xi32>
    %reduce_min3A_19 = vector.multi_reduction <minsi>, %select_n3A, %reduce_min3A [0] : vector<64x256xi32> to vector<256xi32>
    %broadcast_in_dim3A_20 = vector.shape_cast %reduce_min3A_19 : vector<256xi32> to vector<1x256xi32>
    %eq3A_21 = vector.broadcast %broadcast_in_dim3A_20 : vector<1x256xi32> to vector<64x256xi32>
    %eq3A_22 = arith.cmpi eq, %iota3A, %eq3A_21 : vector<64x256xi32>
    %jit3A_23 = arith.constant -1.000000e+00 : f32
    %broadcast_in_dim3A_24 = vector.broadcast %jit3A_23 : f32 to vector<64x256xf32>
    %select_n3A_25 = arith.select %eq3A_22, %broadcast_in_dim3A_24, %div3A_12 : vector<64x256xi1>, vector<64x256xf32>
    %reduce_max3A_26 = arith.constant dense<0xFF800000> : vector<256xf32>
    %reduce_max3A_27 = vector.multi_reduction <maximumf>, %select_n3A_25, %reduce_max3A_26 [0] : vector<64x256xf32> to vector<256xf32>
    %broadcast_in_dim3A_28 = vector.shape_cast %reduce_max3A_27 : vector<256xf32> to vector<1x256xf32>
    %eq3A_29 = vector.broadcast %broadcast_in_dim3A_28 : vector<1x256xf32> to vector<64x256xf32>
    %eq3A_30 = arith.cmpf oeq, %select_n3A_25, %eq3A_29 : vector<64x256xf32>
    %jit3A_31 = arith.constant 64 : i32
    %broadcast_in_dim3A_32 = vector.broadcast %jit3A_31 : i32 to vector<64x256xi32>
    %select_n3A_33 = arith.select %eq3A_30, %iota3A, %broadcast_in_dim3A_32 : vector<64x256xi1>, vector<64x256xi32>
    %reduce_min3A_34 = arith.constant dense<2147483647> : vector<256xi32>
    %reduce_min3A_35 = vector.multi_reduction <minsi>, %select_n3A_33, %reduce_min3A_34 [0] : vector<64x256xi32> to vector<256xi32>
    %broadcast_in_dim3A_36 = vector.shape_cast %reduce_min3A_35 : vector<256xi32> to vector<1x256xi32>
    %eq3A_37 = vector.broadcast %broadcast_in_dim3A_36 : vector<1x256xi32> to vector<64x256xi32>
    %eq3A_38 = arith.cmpi eq, %iota3A, %eq3A_37 : vector<64x256xi32>
    %jit3A_39 = arith.constant -1.000000e+00 : f32
    %broadcast_in_dim3A_40 = vector.broadcast %jit3A_39 : f32 to vector<64x256xf32>
    %select_n3A_41 = arith.select %eq3A_38, %broadcast_in_dim3A_40, %select_n3A_25 : vector<64x256xi1>, vector<64x256xf32>
    %reduce_max3A_42 = arith.constant dense<0xFF800000> : vector<256xf32>
    %reduce_max3A_43 = vector.multi_reduction <maximumf>, %select_n3A_41, %reduce_max3A_42 [0] : vector<64x256xf32> to vector<256xf32>
    %broadcast_in_dim3A_44 = vector.shape_cast %reduce_max3A_43 : vector<256xf32> to vector<1x256xf32>
    %eq3A_45 = vector.broadcast %broadcast_in_dim3A_44 : vector<1x256xf32> to vector<64x256xf32>
    %eq3A_46 = arith.cmpf oeq, %select_n3A_41, %eq3A_45 : vector<64x256xf32>
    %jit3A_47 = arith.constant 64 : i32
    %broadcast_in_dim3A_48 = vector.broadcast %jit3A_47 : i32 to vector<64x256xi32>
    %select_n3A_49 = arith.select %eq3A_46, %iota3A, %broadcast_in_dim3A_48 : vector<64x256xi1>, vector<64x256xi32>
    %reduce_min3A_50 = arith.constant dense<2147483647> : vector<256xi32>
    %reduce_min3A_51 = vector.multi_reduction <minsi>, %select_n3A_49, %reduce_min3A_50 [0] : vector<64x256xi32> to vector<256xi32>
    %broadcast_in_dim3A_52 = vector.shape_cast %reduce_min3A_51 : vector<256xi32> to vector<1x256xi32>
    %eq3A_53 = vector.broadcast %broadcast_in_dim3A_52 : vector<1x256xi32> to vector<64x256xi32>
    %eq3A_54 = arith.cmpi eq, %iota3A, %eq3A_53 : vector<64x256xi32>
    %jit3A_55 = arith.constant -1.000000e+00 : f32
    %broadcast_in_dim3A_56 = vector.broadcast %jit3A_55 : f32 to vector<64x256xf32>
    %select_n3A_57 = arith.select %eq3A_54, %broadcast_in_dim3A_56, %select_n3A_41 : vector<64x256xi1>, vector<64x256xf32>
    %reduce_max3A_58 = arith.constant dense<0xFF800000> : vector<256xf32>
    %reduce_max3A_59 = vector.multi_reduction <maximumf>, %select_n3A_57, %reduce_max3A_58 [0] : vector<64x256xf32> to vector<256xf32>
    %broadcast_in_dim3A_60 = vector.shape_cast %reduce_max3A_59 : vector<256xf32> to vector<1x256xf32>
    %eq3A_61 = vector.broadcast %broadcast_in_dim3A_60 : vector<1x256xf32> to vector<64x256xf32>
    %eq3A_62 = arith.cmpf oeq, %select_n3A_57, %eq3A_61 : vector<64x256xf32>
    %jit3A_63 = arith.constant 64 : i32
    %broadcast_in_dim3A_64 = vector.broadcast %jit3A_63 : i32 to vector<64x256xi32>
    %select_n3A_65 = arith.select %eq3A_62, %iota3A, %broadcast_in_dim3A_64 : vector<64x256xi1>, vector<64x256xi32>
    %reduce_min3A_66 = arith.constant dense<2147483647> : vector<256xi32>
    %reduce_min3A_67 = vector.multi_reduction <minsi>, %select_n3A_65, %reduce_min3A_66 [0] : vector<64x256xi32> to vector<256xi32>
    %broadcast_in_dim3A_68 = vector.shape_cast %reduce_min3A_67 : vector<256xi32> to vector<1x256xi32>
    %eq3A_69 = vector.broadcast %broadcast_in_dim3A_68 : vector<1x256xi32> to vector<64x256xi32>
    %eq3A_70 = arith.cmpi eq, %iota3A, %eq3A_69 : vector<64x256xi32>
    %jit3A_71 = arith.constant -1.000000e+00 : f32
    %broadcast_in_dim3A_72 = vector.broadcast %jit3A_71 : f32 to vector<64x256xf32>
    %select_n3A_73 = arith.select %eq3A_70, %broadcast_in_dim3A_72, %select_n3A_57 : vector<64x256xi1>, vector<64x256xf32>
    %reduce_max3A_74 = arith.constant dense<0xFF800000> : vector<256xf32>
    %reduce_max3A_75 = vector.multi_reduction <maximumf>, %select_n3A_73, %reduce_max3A_74 [0] : vector<64x256xf32> to vector<256xf32>
    %broadcast_in_dim3A_76 = vector.shape_cast %reduce_max3A_75 : vector<256xf32> to vector<1x256xf32>
    %eq3A_77 = vector.broadcast %broadcast_in_dim3A_76 : vector<1x256xf32> to vector<64x256xf32>
    %eq3A_78 = arith.cmpf oeq, %select_n3A_73, %eq3A_77 : vector<64x256xf32>
    %jit3A_79 = arith.constant 64 : i32
    %broadcast_in_dim3A_80 = vector.broadcast %jit3A_79 : i32 to vector<64x256xi32>
    %select_n3A_81 = arith.select %eq3A_78, %iota3A, %broadcast_in_dim3A_80 : vector<64x256xi1>, vector<64x256xi32>
    %reduce_min3A_82 = arith.constant dense<2147483647> : vector<256xi32>
    %reduce_min3A_83 = vector.multi_reduction <minsi>, %select_n3A_81, %reduce_min3A_82 [0] : vector<64x256xi32> to vector<256xi32>
    %broadcast_in_dim3A_84 = vector.shape_cast %reduce_min3A_83 : vector<256xi32> to vector<1x256xi32>
    %eq3A_85 = vector.broadcast %broadcast_in_dim3A_84 : vector<1x256xi32> to vector<64x256xi32>
    %eq3A_86 = arith.cmpi eq, %iota3A, %eq3A_85 : vector<64x256xi32>
    %jit3A_87 = arith.constant -1.000000e+00 : f32
    %broadcast_in_dim3A_88 = vector.broadcast %jit3A_87 : f32 to vector<64x256xf32>
    %select_n3A_89 = arith.select %eq3A_86, %broadcast_in_dim3A_88, %select_n3A_73 : vector<64x256xi1>, vector<64x256xf32>
    %reduce_max3A_90 = arith.constant dense<0xFF800000> : vector<256xf32>
    %reduce_max3A_91 = vector.multi_reduction <maximumf>, %select_n3A_89, %reduce_max3A_90 [0] : vector<64x256xf32> to vector<256xf32>
    %broadcast_in_dim3A_92 = vector.shape_cast %reduce_max3A_91 : vector<256xf32> to vector<1x256xf32>
    %eq3A_93 = vector.broadcast %broadcast_in_dim3A_92 : vector<1x256xf32> to vector<64x256xf32>
    %eq3A_94 = arith.cmpf oeq, %select_n3A_89, %eq3A_93 : vector<64x256xf32>
    %jit3A_95 = arith.constant 64 : i32
    %broadcast_in_dim3A_96 = vector.broadcast %jit3A_95 : i32 to vector<64x256xi32>
    %select_n3A_97 = arith.select %eq3A_94, %iota3A, %broadcast_in_dim3A_96 : vector<64x256xi1>, vector<64x256xi32>
    %reduce_min3A_98 = arith.constant dense<2147483647> : vector<256xi32>
    %reduce_min3A_99 = vector.multi_reduction <minsi>, %select_n3A_97, %reduce_min3A_98 [0] : vector<64x256xi32> to vector<256xi32>
    %broadcast_in_dim3A_100 = vector.shape_cast %reduce_min3A_99 : vector<256xi32> to vector<1x256xi32>
    %eq3A_101 = vector.broadcast %broadcast_in_dim3A_100 : vector<1x256xi32> to vector<64x256xi32>
    %eq3A_102 = arith.cmpi eq, %iota3A, %eq3A_101 : vector<64x256xi32>
    %jit3A_103 = arith.constant -1.000000e+00 : f32
    %broadcast_in_dim3A_104 = vector.broadcast %jit3A_103 : f32 to vector<64x256xf32>
    %select_n3A_105 = arith.select %eq3A_102, %broadcast_in_dim3A_104, %select_n3A_89 : vector<64x256xi1>, vector<64x256xf32>
    %reduce_max3A_106 = arith.constant dense<0xFF800000> : vector<256xf32>
    %reduce_max3A_107 = vector.multi_reduction <maximumf>, %select_n3A_105, %reduce_max3A_106 [0] : vector<64x256xf32> to vector<256xf32>
    %broadcast_in_dim3A_108 = vector.shape_cast %reduce_max3A_107 : vector<256xf32> to vector<1x256xf32>
    %eq3A_109 = vector.broadcast %broadcast_in_dim3A_108 : vector<1x256xf32> to vector<64x256xf32>
    %eq3A_110 = arith.cmpf oeq, %select_n3A_105, %eq3A_109 : vector<64x256xf32>
    %jit3A_111 = arith.constant 64 : i32
    %broadcast_in_dim3A_112 = vector.broadcast %jit3A_111 : i32 to vector<64x256xi32>
    %select_n3A_113 = arith.select %eq3A_110, %iota3A, %broadcast_in_dim3A_112 : vector<64x256xi1>, vector<64x256xi32>
    %reduce_min3A_114 = arith.constant dense<2147483647> : vector<256xi32>
    %reduce_min3A_115 = vector.multi_reduction <minsi>, %select_n3A_113, %reduce_min3A_114 [0] : vector<64x256xi32> to vector<256xi32>
    %broadcast_in_dim3A_116 = vector.shape_cast %reduce_min3A_115 : vector<256xi32> to vector<1x256xi32>
    %eq3A_117 = vector.broadcast %broadcast_in_dim3A_116 : vector<1x256xi32> to vector<64x256xi32>
    %eq3A_118 = arith.cmpi eq, %iota3A, %eq3A_117 : vector<64x256xi32>
    %jit3A_119 = arith.constant -1.000000e+00 : f32
    %broadcast_in_dim3A_120 = vector.broadcast %jit3A_119 : f32 to vector<64x256xf32>
    %select_n3A_121 = arith.select %eq3A_118, %broadcast_in_dim3A_120, %select_n3A_105 : vector<64x256xi1>, vector<64x256xf32>
    %reduce_max3A_122 = arith.constant dense<0xFF800000> : vector<256xf32>
    %reduce_max3A_123 = vector.multi_reduction <maximumf>, %select_n3A_121, %reduce_max3A_122 [0] : vector<64x256xf32> to vector<256xf32>
    %broadcast_in_dim3A_124 = vector.shape_cast %reduce_max3A_123 : vector<256xf32> to vector<1x256xf32>
    %eq3A_125 = vector.broadcast %broadcast_in_dim3A_124 : vector<1x256xf32> to vector<64x256xf32>
    %eq3A_126 = arith.cmpf oeq, %select_n3A_121, %eq3A_125 : vector<64x256xf32>
    %jit3A_127 = arith.constant 64 : i32
    %broadcast_in_dim3A_128 = vector.broadcast %jit3A_127 : i32 to vector<64x256xi32>
    %select_n3A_129 = arith.select %eq3A_126, %iota3A, %broadcast_in_dim3A_128 : vector<64x256xi1>, vector<64x256xi32>
    %reduce_min3A_130 = arith.constant dense<2147483647> : vector<256xi32>
    %reduce_min3A_131 = vector.multi_reduction <minsi>, %select_n3A_129, %reduce_min3A_130 [0] : vector<64x256xi32> to vector<256xi32>
    %broadcast_in_dim3A_132 = vector.shape_cast %reduce_min3A_131 : vector<256xi32> to vector<1x256xi32>
    %eq3A_133 = vector.broadcast %broadcast_in_dim3A_132 : vector<1x256xi32> to vector<64x256xi32>
    %eq3A_134 = arith.cmpi eq, %iota3A, %eq3A_133 : vector<64x256xi32>
    %jit3A_135 = arith.constant -1.000000e+00 : f32
    %broadcast_in_dim3A_136 = vector.broadcast %jit3A_135 : f32 to vector<64x256xf32>
    %select_n3A_137 = arith.select %eq3A_134, %broadcast_in_dim3A_136, %select_n3A_121 : vector<64x256xi1>, vector<64x256xf32>
    %eq3A_138 = arith.constant -1.000000e+00 : f32
    %eq3A_139 = vector.broadcast %eq3A_138 : f32 to vector<64x256xf32>
    %eq3A_140 = arith.cmpf oeq, %select_n3A_137, %eq3A_139 : vector<64x256xf32>
    %convert_element_type3A_141 = arith.extui %eq3A_140 : vector<64x256xi1> to vector<64x256xi32>
    %convert_element_type3A_142 = arith.sitofp %convert_element_type3A_141 : vector<64x256xi32> to vector<64x256xf32>
    %get3A_143 = arith.constant 0 : index
    %get3A_144 = arith.constant 0 : index
    %get3A_145 = vector.load %arg9[%get3A_143, %get3A_144] : memref<256x256xf32, #tpu.memory_space<vmem>>, vector<256x256xf32>
    %dot_general3A_146 = arith.constant dense<0.000000e+00> : vector<64x256xf32>
    %dot_general3A_147 = tpu.matmul %convert_element_type3A_142, %get3A_145, %dot_general3A_146 {dimension_numbers = #tpu.dot_dimension_numbers<[1], [0], [0], [1], [0, 0, 1, 1], [], []>, precision = #tpu.contract_precision<fp32>, transpose_lhs_hint = false} : vector<64x256xf32>, vector<256x256xf32>, vector<64x256xf32> -> vector<64x256xf32>
    %get3A_148 = arith.constant 0 : index
    %get3A_149 = arith.constant 0 : index
    %get3A_150 = vector.load %arg8[%get3A_148, %get3A_149] : memref<64x1xf32, #tpu.memory_space<vmem>>, vector<64x1xf32>
    %add3A = vector.broadcast %get3A_150 : vector<64x1xf32> to vector<64x256xf32>
    %add3A_151 = arith.addf %dot_general3A_147, %add3A : vector<64x256xf32>
    %jit3A_152 = arith.constant 0.000000e+00 : f32
    %broadcast_in_dim3A_153 = vector.broadcast %jit3A_152 : f32 to vector<64x256xf32>
    %select_n3A_154 = arith.select %eq3A_22, %add3A_151, %broadcast_in_dim3A_153 : vector<64x256xi1>, vector<64x256xf32>
    %reduce_sum3A_155 = arith.constant dense<0.000000e+00> : vector<256xf32>
    %reduce_sum3A_156 = vector.multi_reduction <add>, %select_n3A_154, %reduce_sum3A_155 [0] : vector<64x256xf32> to vector<256xf32>
    %broadcast_in_dim3A_157 = vector.shape_cast %reduce_sum3A_156 : vector<256xf32> to vector<1x256xf32>
    %jit3A_158 = arith.constant 0.000000e+00 : f32
    %broadcast_in_dim3A_159 = vector.broadcast %jit3A_158 : f32 to vector<64x256xf32>
    %select_n3A_160 = arith.select %eq3A_38, %add3A_151, %broadcast_in_dim3A_159 : vector<64x256xi1>, vector<64x256xf32>
    %reduce_sum3A_161 = arith.constant dense<0.000000e+00> : vector<256xf32>
    %reduce_sum3A_162 = vector.multi_reduction <add>, %select_n3A_160, %reduce_sum3A_161 [0] : vector<64x256xf32> to vector<256xf32>
    %broadcast_in_dim3A_163 = vector.shape_cast %reduce_sum3A_162 : vector<256xf32> to vector<1x256xf32>
    %jit3A_164 = arith.constant 0.000000e+00 : f32
    %broadcast_in_dim3A_165 = vector.broadcast %jit3A_164 : f32 to vector<64x256xf32>
    %select_n3A_166 = arith.select %eq3A_54, %add3A_151, %broadcast_in_dim3A_165 : vector<64x256xi1>, vector<64x256xf32>
    %reduce_sum3A_167 = arith.constant dense<0.000000e+00> : vector<256xf32>
    %reduce_sum3A_168 = vector.multi_reduction <add>, %select_n3A_166, %reduce_sum3A_167 [0] : vector<64x256xf32> to vector<256xf32>
    %broadcast_in_dim3A_169 = vector.shape_cast %reduce_sum3A_168 : vector<256xf32> to vector<1x256xf32>
    %jit3A_170 = arith.constant 0.000000e+00 : f32
    %broadcast_in_dim3A_171 = vector.broadcast %jit3A_170 : f32 to vector<64x256xf32>
    %select_n3A_172 = arith.select %eq3A_70, %add3A_151, %broadcast_in_dim3A_171 : vector<64x256xi1>, vector<64x256xf32>
    %reduce_sum3A_173 = arith.constant dense<0.000000e+00> : vector<256xf32>
    %reduce_sum3A_174 = vector.multi_reduction <add>, %select_n3A_172, %reduce_sum3A_173 [0] : vector<64x256xf32> to vector<256xf32>
    %broadcast_in_dim3A_175 = vector.shape_cast %reduce_sum3A_174 : vector<256xf32> to vector<1x256xf32>
    %jit3A_176 = arith.constant 0.000000e+00 : f32
    %broadcast_in_dim3A_177 = vector.broadcast %jit3A_176 : f32 to vector<64x256xf32>
    %select_n3A_178 = arith.select %eq3A_86, %add3A_151, %broadcast_in_dim3A_177 : vector<64x256xi1>, vector<64x256xf32>
    %reduce_sum3A_179 = arith.constant dense<0.000000e+00> : vector<256xf32>
    %reduce_sum3A_180 = vector.multi_reduction <add>, %select_n3A_178, %reduce_sum3A_179 [0] : vector<64x256xf32> to vector<256xf32>
    %broadcast_in_dim3A_181 = vector.shape_cast %reduce_sum3A_180 : vector<256xf32> to vector<1x256xf32>
    %jit3A_182 = arith.constant 0.000000e+00 : f32
    %broadcast_in_dim3A_183 = vector.broadcast %jit3A_182 : f32 to vector<64x256xf32>
    %select_n3A_184 = arith.select %eq3A_102, %add3A_151, %broadcast_in_dim3A_183 : vector<64x256xi1>, vector<64x256xf32>
    %reduce_sum3A_185 = arith.constant dense<0.000000e+00> : vector<256xf32>
    %reduce_sum3A_186 = vector.multi_reduction <add>, %select_n3A_184, %reduce_sum3A_185 [0] : vector<64x256xf32> to vector<256xf32>
    %broadcast_in_dim3A_187 = vector.shape_cast %reduce_sum3A_186 : vector<256xf32> to vector<1x256xf32>
    %jit3A_188 = arith.constant 0.000000e+00 : f32
    %broadcast_in_dim3A_189 = vector.broadcast %jit3A_188 : f32 to vector<64x256xf32>
    %select_n3A_190 = arith.select %eq3A_118, %add3A_151, %broadcast_in_dim3A_189 : vector<64x256xi1>, vector<64x256xf32>
    %reduce_sum3A_191 = arith.constant dense<0.000000e+00> : vector<256xf32>
    %reduce_sum3A_192 = vector.multi_reduction <add>, %select_n3A_190, %reduce_sum3A_191 [0] : vector<64x256xf32> to vector<256xf32>
    %broadcast_in_dim3A_193 = vector.shape_cast %reduce_sum3A_192 : vector<256xf32> to vector<1x256xf32>
    %jit3A_194 = arith.constant 0.000000e+00 : f32
    %broadcast_in_dim3A_195 = vector.broadcast %jit3A_194 : f32 to vector<64x256xf32>
    %select_n3A_196 = arith.select %eq3A_134, %add3A_151, %broadcast_in_dim3A_195 : vector<64x256xi1>, vector<64x256xf32>
    %reduce_sum3A_197 = arith.constant dense<0.000000e+00> : vector<256xf32>
    %reduce_sum3A_198 = vector.multi_reduction <add>, %select_n3A_196, %reduce_sum3A_197 [0] : vector<64x256xf32> to vector<256xf32>
    %broadcast_in_dim3A_199 = vector.shape_cast %reduce_sum3A_198 : vector<256xf32> to vector<1x256xf32>
    %concatenate3A = tpu.concatenate %broadcast_in_dim3A_15, %broadcast_in_dim3A_28, %broadcast_in_dim3A_44, %broadcast_in_dim3A_60, %broadcast_in_dim3A_76, %broadcast_in_dim3A_92, %broadcast_in_dim3A_108, %broadcast_in_dim3A_124 in 0 : vector<1x256xf32>, vector<1x256xf32>, vector<1x256xf32>, vector<1x256xf32>, vector<1x256xf32>, vector<1x256xf32>, vector<1x256xf32>, vector<1x256xf32> -> vector<8x256xf32>
    %swap3A = arith.constant 0 : index
    %swap3A_200 = arith.constant 0 : index
    %swap3A_201 = vector.load %arg3[%swap3A, %swap3A_200] : memref<8x256xf32, #tpu.memory_space<vmem>>, vector<8x256xf32>
    tpu.vector_store %arg3[%swap3A, %swap3A_200], %concatenate3A {strides = array<i32>} : memref<8x256xf32, #tpu.memory_space<vmem>>, vector<8x256xf32>,
    %concatenate3A_202 = tpu.concatenate %broadcast_in_dim3A_20, %broadcast_in_dim3A_36, %broadcast_in_dim3A_52, %broadcast_in_dim3A_68, %broadcast_in_dim3A_84, %broadcast_in_dim3A_100, %broadcast_in_dim3A_116, %broadcast_in_dim3A_132 in 0 : vector<1x256xi32>, vector<1x256xi32>, vector<1x256xi32>, vector<1x256xi32>, vector<1x256xi32>, vector<1x256xi32>, vector<1x256xi32>, vector<1x256xi32> -> vector<8x256xi32>
    %swap3A_203 = arith.constant 0 : index
    %swap3A_204 = arith.constant 0 : index
    %swap3A_205 = vector.load %arg4[%swap3A_203, %swap3A_204] : memref<8x256xi32, #tpu.memory_space<vmem>>, vector<8x256xi32>
    tpu.vector_store %arg4[%swap3A_203, %swap3A_204], %concatenate3A_202 {strides = array<i32>} : memref<8x256xi32, #tpu.memory_space<vmem>>, vector<8x256xi32>,
    %concatenate3A_206 = tpu.concatenate %broadcast_in_dim3A_157, %broadcast_in_dim3A_163, %broadcast_in_dim3A_169, %broadcast_in_dim3A_175, %broadcast_in_dim3A_181, %broadcast_in_dim3A_187, %broadcast_in_dim3A_193, %broadcast_in_dim3A_199 in 0 : vector<1x256xf32>, vector<1x256xf32>, vector<1x256xf32>, vector<1x256xf32>, vector<1x256xf32>, vector<1x256xf32>, vector<1x256xf32>, vector<1x256xf32> -> vector<8x256xf32>
    %convert_element_type3A_207 = arith.fptosi %concatenate3A_206 : vector<8x256xf32> to vector<8x256xi32>
    %swap3A_208 = arith.constant 0 : index
    %swap3A_209 = arith.constant 0 : index
    %swap3A_210 = vector.load %arg5[%swap3A_208, %swap3A_209] : memref<8x256xi32, #tpu.memory_space<vmem>>, vector<8x256xi32>
    tpu.vector_store %arg5[%swap3A_208, %swap3A_209], %convert_element_type3A_207 {strides = array<i32>} : memref<8x256xi32, #tpu.memory_space<vmem>>, vector<8x256xi32>,
    %get3A_211 = arith.constant 0 : index
    %get3A_212 = arith.constant 0 : index
    %get3A_213 = vector.load %arg8[%get3A_211, %get3A_212] : memref<64x1xf32, #tpu.memory_space<vmem>>, vector<64x1xf32>
    %reduce_sum3A_214 = arith.constant dense<0.000000e+00> : vector<64xf32>
    %reduce_sum3A_215 = vector.multi_reduction <add>, %convert_element_type3A_142, %reduce_sum3A_214 [1] : vector<64x256xf32> to vector<64xf32>
    %broadcast_in_dim3A_216 = vector.shape_cast %reduce_sum3A_215 : vector<64xf32> to vector<64x1xf32>
    %add3A_217 = arith.addf %get3A_213, %broadcast_in_dim3A_216 : vector<64x1xf32>
    %swap3A_218 = arith.constant 0 : index
    %swap3A_219 = arith.constant 0 : index
    %swap3A_220 = vector.load %arg8[%swap3A_218, %swap3A_219] : memref<64x1xf32, #tpu.memory_space<vmem>>, vector<64x1xf32>
    tpu.vector_store %arg8[%swap3A_218, %swap3A_219], %add3A_217 {strides = array<i32>} : memref<64x1xf32, #tpu.memory_space<vmem>>, vector<64x1xf32>,
    %eq3A_221 = arith.constant 127 : i32
    %eq3A_222 = arith.cmpi eq, %arg0, %eq3A_221 : i32
    %convert_element_type3A_223 = arith.extui %eq3A_222 : i1 to i32
    %cond3A_224 = arith.constant 0 : i32
    %cond3A_225 = arith.cmpi ne, %convert_element_type3A_223, %cond3A_224 : i32
    scf.if %cond3A_225 {
      %broadcast_in_dim3A_226 = vector.shape_cast %add3A_217 : vector<64x1xf32> to vector<64x1xf32>
      %broadcast_in_dim3A_227 = vector.broadcast %broadcast_in_dim3A_226 : vector<64x1xf32> to vector<64x128xf32>
      %swap3A_228 = arith.constant 0 : index
      %swap3A_229 = arith.constant 0 : index
      %swap3A_230 = vector.load %arg6[%swap3A_228, %swap3A_229] : memref<64x128xf32, #tpu.memory_space<vmem>>, vector<64x128xf32>
      tpu.vector_store %arg6[%swap3A_228, %swap3A_229], %broadcast_in_dim3A_227 {strides = array<i32>} : memref<64x128xf32, #tpu.memory_space<vmem>>, vector<64x128xf32>,
      %iota3A_231 = tpu.iota {dimensions = array<i32: 0>} : vector<64x64xi32>
      %iota3A_232 = tpu.iota {dimensions = array<i32: 1>} : vector<64x64xi32>
      %lt3A = arith.cmpi slt, %iota3A_232, %iota3A_231 : vector<64x64xi32>
      %convert_element_type3A_233 = arith.extui %lt3A : vector<64x64xi1> to vector<64x64xi32>
      %convert_element_type3A_234 = arith.sitofp %convert_element_type3A_233 : vector<64x64xi32> to vector<64x64xf32>
      %dot_general3A_235 = arith.constant dense<0.000000e+00> : vector<64x1xf32>
      %dot_general3A_236 = tpu.matmul %convert_element_type3A_234, %add3A_217, %dot_general3A_235 {dimension_numbers = #tpu.dot_dimension_numbers<[1], [0], [0], [1], [0, 0, 1, 1], [], []>, precision = #tpu.contract_precision<fp32>, transpose_lhs_hint = false} : vector<64x64xf32>, vector<64x1xf32>, vector<64x1xf32> -> vector<64x1xf32>
      %broadcast_in_dim3A_237 = vector.shape_cast %dot_general3A_236 : vector<64x1xf32> to vector<64x1xf32>
      %broadcast_in_dim3A_238 = vector.broadcast %broadcast_in_dim3A_237 : vector<64x1xf32> to vector<64x128xf32>
      %convert_element_type3A_239 = arith.fptosi %broadcast_in_dim3A_238 : vector<64x128xf32> to vector<64x128xi32>
      %swap3A_240 = arith.constant 0 : index
      %swap3A_241 = arith.constant 0 : index
      %swap3A_242 = vector.load %arg7[%swap3A_240, %swap3A_241] : memref<64x128xi32, #tpu.memory_space<vmem>>, vector<64x128xi32>
      tpu.vector_store %arg7[%swap3A_240, %swap3A_241], %convert_element_type3A_239 {strides = array<i32>} : memref<64x128xi32, #tpu.memory_space<vmem>>, vector<64x128xi32>,
    } else {
    }
    return
  }
  func.func @transform_0(%arg0: i32) -> (i32, i32) {
    %c0_i32 = arith.constant 0 : i32
    %c0_i32_0 = arith.constant 0 : i32
    return %arg0, %c0_i32 : i32, i32
  }
  func.func @transform_1(%arg0: i32) -> (i32, i32) {
    %c0_i32 = arith.constant 0 : i32
    %c0_i32_0 = arith.constant 0 : i32
    %c0_i32_1 = arith.constant 0 : i32
    return %c0_i32, %c0_i32_0 : i32, i32
  }
  func.func @transform_2(%arg0: i32) -> (i32, i32) {
    %c0_i32 = arith.constant 0 : i32
    %c0_i32_0 = arith.constant 0 : i32
    return %c0_i32, %arg0 : i32, i32
  }
  func.func @transform_3(%arg0: i32) -> (i32, i32) {
    %c0_i32 = arith.constant 0 : i32
    %c0_i32_0 = arith.constant 0 : i32
    return %c0_i32, %arg0 : i32, i32
  }
  func.func @transform_4(%arg0: i32) -> (i32, i32) {
    %c0_i32 = arith.constant 0 : i32
    %c0_i32_0 = arith.constant 0 : i32
    return %c0_i32, %arg0 : i32, i32
  }
  func.func @transform_5(%arg0: i32) -> (i32, i32) {
    %c0_i32 = arith.constant 0 : i32
    %c0_i32_0 = arith.constant 0 : i32
    %c0_i32_1 = arith.constant 0 : i32
    return %c0_i32, %c0_i32_0 : i32, i32
  }
  func.func @transform_6(%arg0: i32) -> (i32, i32) {
    %c0_i32 = arith.constant 0 : i32
    %c0_i32_0 = arith.constant 0 : i32
    %c0_i32_1 = arith.constant 0 : i32
    return %c0_i32, %c0_i32_0 : i32, i32
  }
}

</mosaic_0001>

<sc_bundles>
// kernel: kernel.4.cloned.1.call-start
scs
__scs_entry_jumppad:
0x0: {  	(pc) =	sbr.rel $0x88, $3  }
0x1: {  	(tag) =	ssettag $0x0;
	lr =	simm.s32 $0x1  }
0x2: {  	[smem:$0x3F9F] =	sst lr;
	_ =	strace $0xD0000000  }
0x3: {  	_ = 	snop  }
0x4: {  	_ = 	snop  }
0x5: {  	_ = 	snop  }
0x6: {  	_ = 	snop  }
0x7: {  	_ = 	snop  }
__scs_overlays_trampoline_lowered:
0x8: {  	[smem:$0x3FAE] =	sst s0  }
0x9: {  	[smem:$0x3FAF] =	sst s1  }
0xa: {  	[smem:$0x3FB0] =	sst s2  }
0xb: {  	[smem:$0x3FB1] =	sst s3  }
0xc: {  	[smem:$0x3FB2] =	sst s4  }
0xd: {  	[smem:$0x3FB3] =	sst s5  }
0xe: {  	[smem:$0x3FB4] =	sst s6  }
0xf: {  	[smem:$0x3FB5] =	sst s7  }
0x10: {  	[smem:$0x3FB6] =	sst s8  }
0x11: {  	[smem:$0x3FB7] =	sst s9;
	s0 =	simm.s32 @!p0 $0x0  }
0x12: {  	s1 =	sld [smem:$0x3F9D];
	s0 =	simm.s32 @p0 $0x1  }
0x13: {  	[smem:$0x3FB8] =	sst s0;
	s0 =	simm.s32 @!p1 $0x0  }
0x14: {  	s2 =	sld [smem:$0x3F9C];
	s0 =	simm.s32 @p1 $0x1  }
0x15: {  	[smem:$0x3FB9] =	sst s0;
	s0 =	simm.s32 @!p2 $0x0  }
0x16: {  	s3 =	sld [smem:$0x3FDB];
	s0 =	simm.s32 @p2 $0x1  }
0x17: {  	s4 =	simm.s32 $0x1BF5;
	[smem:$0x3FBB] =	sst s0  }
0x18: {  	s0 =	sld [smem:$0x3F9E];
	_ =	swait.ge [sflag:s4], $0x0  }
0x19: {  	s7 =	sld [smem:$0x3F9F]  }
0x1a: {  	s8 =	sadd.s32 $0xFFFFE003, lr  }
0x1b: {  	s9 =	sadd.s32 $0xFFFFFEF7, lr;
	s5 =	simm.s32 $0xFFFFFFFF;
	p2 =	slt.u32 s8, $0xFFFFF086  }
0x1c: {  	p1 =	slt.u32 s9, $0xF7A;
	s5 =	simm.s32 @!p2 $0x0  }
0x1d: {  	s5 =	simm.s32 @p1 $0x1;
	p0 =	seq.s32 s7, s2  }
0x1e: {  	s7 =	smul.u32 @!p0 $0xF7A, s2;
	p2 =	seq.s32 @!p0 s5, $0x0  }
0x1f: {  	s9 =	smul.u32 $0xF7A, s1;
	s8 =	simm.s32 @!p0 $0x1BF5;
	p2 =	por !p2, p0  }
0x20: {  	[sflag:s8] =	ssyncset.s32 @!p0 $0xFFFFF086;
	s6 =	sadd.s32 @!p0 s3, s7;
	s7 =	simm.s32 @!p0 $0x108  }
0x21: {  	s3 =	sadd.s32 s3, s9;
	s6 =	sadd.s32 @!p0 $0x88, s6;
	s7 =	simm.s32 @p2 $0x1082  }
0x22: {  	[simem:s7], [sflag:s8] =	dma.local @!p0 [hbm:s6], $0xF7A  }
0x23: {  	s9 =	sor.u32 $0xD0000000, s2;
	s6 =	simm.s32 $0x108;
	_ =	swait.ge @!p0 [sflag:s8], $0x0  }
0x24: {  	s3 =	sadd.s32 $0x88, s3;
	s6 =	simm.s32 @!p1 $0x1082;
	[sflag:s4] =	ssyncset.s32 $0xFFFFF086  }
0x25: {  	[simem:s6], [sflag:s4] =	dma.local [hbm:s3], $0xF7A  }
0x26: {  	[smem:$0x3F9F] =	sst s1;
	(tag) =	ssettag s2;
	_ =	strace s9  }
0x27: {  	s1 =	sld [smem:$0x3FAF]  }
0x28: {  	s2 =	sld [smem:$0x3FB0]  }
0x29: {  	s4 =	sld [smem:$0x3FB2]  }
0x2a: {  	p0 =	seq.s32 s5, $0x0;
	s5 =	sld [smem:$0x3FB3]  }
0x2b: {  	s6 =	sld [smem:$0x3FB4]  }
0x2c: {  	s7 =	sld [smem:$0x3FB5]  }
0x2d: {  	s3 =	simm.s32 $0x108;
	s8 =	sld [smem:$0x3FB6]  }
0x2e: {  	s3 =	simm.s32 @!p0 $0x1082;
	s9 =	sld [smem:$0x3FB7]  }
0x2f: {  	lr =	sadd.s32 s0, s3;
	s0 =	sld [smem:$0x3FAE]  }
0x30: {  	s3 =	sld [smem:$0x3FB1]  }
0x31: {  	[smem:$0x3FBA] =	sst s10  }
0x32: {  	s10 =	sld [smem:$0x3FB8];
	_ =	sdelay $0x3  }
0x33: {  	p0 =	seq.s32 s10, $0x1;
	s10 =	sld [smem:$0x3FBA];
	_ =	sdelay $0x3  }
0x34: {  	[smem:$0x3FBA] =	sst s10  }
0x35: {  	s10 =	sld [smem:$0x3FB9];
	_ =	sdelay $0x3  }
0x36: {  	p1 =	seq.s32 s10, $0x1;
	s10 =	sld [smem:$0x3FBA];
	_ =	sdelay $0x3  }
0x37: {  	[smem:$0x3FBA] =	sst s10  }
0x38: {  	s10 =	sld [smem:$0x3FBB]  }
0x39: {  	_ = 	snop;
	(pc) =	sbr.ind lr, $3  }
0x3a: {  	_ = 	snop  }
0x3b: {  	_ = 	snop  }
0x3c: {  	p2 =	seq.s32 s10, $0x1;
	s10 =	sld [smem:$0x3FBA]  }
0x3d: {  	_ =	shalt  }
0x3e: {  	_ =	shalt  }
0x3f: {  	_ =	shalt  }
0x40: {  	_ =	shalt  }
0x41: {  	_ =	shalt  }
0x42: {  	_ =	shalt  }
0x43: {  	_ =	shalt  }
0x44: {  	_ =	shalt  }
0x45: {  	_ =	shalt  }
0x46: {  	_ =	shalt  }
0x47: {  	_ =	shalt  }
0x48: {  	_ =	shalt  }
0x49: {  	_ =	shalt  }
0x4a: {  	_ =	shalt  }
0x4b: {  	_ =	shalt  }
0x4c: {  	_ =	shalt  }
0x4d: {  	_ =	shalt  }
0x4e: {  	_ =	shalt  }
0x4f: {  	_ =	shalt  }
0x50: {  	_ =	shalt  }
0x51: {  	_ =	shalt  }
0x52: {  	_ =	shalt  }
0x53: {  	_ =	shalt  }
0x54: {  	_ =	shalt  }
0x55: {  	_ =	shalt  }
0x56: {  	_ =	shalt  }
0x57: {  	_ =	shalt  }
0x58: {  	_ =	shalt  }
0x59: {  	_ =	shalt  }
0x5a: {  	_ =	shalt  }
0x5b: {  	_ =	shalt  }
0x5c: {  	_ =	shalt  }
0x5d: {  	_ =	shalt  }
0x5e: {  	_ =	shalt  }
0x5f: {  	_ =	shalt  }
0x60: {  	_ =	shalt  }
0x61: {  	_ =	shalt  }
0x62: {  	_ =	shalt  }
0x63: {  	_ =	shalt  }
0x64: {  	_ =	shalt  }
0x65: {  	_ =	shalt  }
0x66: {  	_ =	shalt  }
0x67: {  	_ =	shalt  }
0x68: {  	_ =	shalt  }
0x69: {  	_ =	shalt  }
0x6a: {  	_ =	shalt  }
0x6b: {  	_ =	shalt  }
0x6c: {  	_ =	shalt  }
0x6d: {  	_ =	shalt  }
0x6e: {  	_ =	shalt  }
0x6f: {  	_ =	shalt  }
0x70: {  	_ =	shalt  }
0x71: {  	_ =	shalt  }
0x72: {  	_ =	shalt  }
0x73: {  	_ =	shalt  }
0x74: {  	_ =	shalt  }
0x75: {  	_ =	shalt  }
0x76: {  	_ =	shalt  }
0x77: {  	_ =	shalt  }
0x78: {  	_ =	shalt  }
0x79: {  	_ =	shalt  }
0x7a: {  	_ =	shalt  }
0x7b: {  	_ =	shalt  }
0x7c: {  	_ =	shalt  }
0x7d: {  	_ =	shalt  }
0x7e: {  	_ =	shalt  }
0x7f: {  	_ =	shalt  }
0x80: {  	_ =	shalt  }
0x81: {  	_ =	shalt  }
0x82: {  	_ =	shalt  }
0x83: {  	_ =	shalt  }
0x84: {  	_ =	shalt  }
0x85: {  	_ =	shalt  }
0x86: {  	_ =	shalt  }
0x87: {  	_ =	shalt  }
.Lfunc_end0:
.L_simem_size_0:
called_computation_lowered:
.L_overlay_start_0:
0x88: {  	s2 =	sld [smem:$0x3FD9]  }
0x89: {  	s3 =	sld [smem:$0x3FFE];
	_ =	sdelay $0x1  }
0x8a: {  	s1 =	srdreg.scid  }
0x8b: {  	s0 =	sand.u32 $0x1, s1  }
0x8c: {  	s14 =	sshll.u32 s0, $0xA;
	s2 =	sadd.s32 s3, s2  }
0x8d: {  	s2 =	sadd.s32 s2, s14  }
0x8e: {  	[smem:$0x3FC6] =	sst s2  }
0x8f: {  	_ = 	snop  }
0x90: {  	s2 =	sld [smem:$0x3FD0];
	_ =	sdelay $0x2  }
0x91: {  	s15 =	simm.s32 $0xA;
	s4 =	simm.s32 $0x10  }
0x92: {  	[smem:s4], [sflag:s15] =	dma.local [hbm:s2], $0x1  }
0x93: {  	_ =	swait.eq [sflag:s15], $0x1  }
0x94: {  	[sflag:s15] =	ssyncset.done $0x0  }
0x95: {  	s16 =	sld [smem:$0x10];
	[sflag:s15] =	ssyncadd.s32 $0xFFFFFFFF  }
0x96: {  	s17 =	sld [smem:$0x11];
	(tm) =	ssettm $0x1  }
0x97: {  	s18 =	sld [smem:$0x3FFB];
	_ =	sdelay $0x3  }
0x98: {  	_ =	strace s18  }
0x99: {  	s4 =	sld [smem:$0x3FFC];
	_ =	sdelay $0x3  }
0x9a: {  	_ =	strace s4  }
0x9b: {  	s4 =	sld [smem:$0x3FFD];
	_ =	sdelay $0x3  }
0x9c: {  	_ =	strace s4  }
0x9d: {  	_ =	strace $0x8FFFFFFF  }
0x9e: {  	s19 =	sld [smem:$0x3FDB];
	_ =	sdelay $0x1  }
0x9f: {  	s5 =	simm.s32 $_scs_section_size  }
0xa0: {  	s6 =	simm.s32 $_size__tile_overlayer_lowered;
	s7 =	simm.s32 $_tile_overlayer_lowered  }
0xa1: {  	s22 =	simm.s32 $0x1BFF;
	s21 =	sshll.u32 s7, $0x1;
	s4 =	sadd.s32 s5, s19  }
0xa2: {  	s8 =	simm.s32 $0x0;
	s20 =	sshll.u32 s6, $0x1;
	s6 =	sadd.s32 s21, s4  }
0xa3: {  	[timem:s8], [sflag:s22] =	dma.local [hbm:s6], s20  }
0xa4: {  	_ =	swait.ge [sflag:s22], s20  }
0xa5: {  	s5 =	ssub.s32 $0x0, s20;
	[sflag:s22] =	ssyncset.done $0x0  }
0xa6: {  	[sflag:s22] =	ssyncadd.s32 s5;
	_ =	sdelay $0x1  }
0xa7: {  	s23 =	simm.s32 $0x1B8B  }
0xa8: {  	_ =	swait.ge [sflag:s23], $0x1  }
0xa9: {  	[sflag:s23] =	ssyncset.done $0x0  }
0xaa: {  	s25 =	simm.s32 $0x1B8E;
	s24 =	sld [smem:$0x3FFE];
	[sflag:s23] =	ssyncadd.s32 $0xFFFFFFFF  }
0xab: {  	s26 =	simm.s32 $execute0_lowered;
	[smem:$0x3FD2] =	sst s25  }
0xac: {  	s6 =	sshll.u32 s26, $0x1;
	_ =	strace $0x80000046;
	[dreg:$0x1] =	wrdreg $0xFFFFFFFF  }
0xad: {  	s28 =	simm.s32 $_size_execute0_lowered;
	s4 =	sadd.s32 s4, s6;
	[dreg:$0x0] =	wrdreg $0x0  }
0xae: {  	s6 =	sshll.u32 s28, $0x1;
	[dreg:$0x2] =	wrdreg s4  }
0xaf: {  	[dreg:$0x3] =	wrdreg s6  }
0xb0: {  	[dreg:$0x4] =	wrdreg $0xC0  }
0xb1: {  	_ =	task [dreg:s8], $0x5FFFF  }
0xb2: {  	[dreg:$0x1] =	wrdreg $0xFFFFFFFF  }
0xb3: {  	[dreg:$0x0] =	wrdreg $0x60  }
0xb4: {  	[dreg:$0x2] =	wrdreg s24  }
0xb5: {  	[dreg:$0x3] =	wrdreg s16  }
0xb6: {  	[dreg:$0x4] =	wrdreg s17  }
0xb7: {  	[dreg:$0x5] =	wrdreg $0x140800  }
0xb8: {  	[dreg:$0x6] =	wrdreg $0x160880  }
0xb9: {  	[dreg:$0x7] =	wrdreg $0x9  }
0xba: {  	_ =	task.clear_ibuf [dreg:s8], $0x8FFFF;
	_ =	strace $0x90000046  }
0xbb: {  	s29 =	simm.s32 $0x9;
	_ =	strace $0x80000048  }
0xbc: {  	_ =	swait.ge [sflag:s29], $0x1  }
0xbd: {  	[sflag:s29] =	ssyncadd.s32 $0xFFFFFFFF  }
0xbe: {  	_ =	strace $0x90000048  }
0xbf: {  	_ =	sfence  }
0xc0: {  	s30 =	sld [smem:$0x0];
	_ =	sdelay $0x2  }
0xc1: {  	s31 =	sshll.u32 s1, $0xD;
	s1 =	sshrl.u32 s1, $0x2  }
0xc2: {  	s3 =	sand.u32 $0x4000, s31;
	s1 =	sadd.s32 s1, s30  }
0xc3: {  	s0 =	sor.u32 s3, s0;
	s1 =	sshll.u32 s1, $0x11  }
0xc4: {  	s0 =	sor.u32 s1, s0  }
0xc5: {  	s0 =	sadd.s32 $0x8F2B, s0  }
0xc6: {  	[sflag:s0] =	ssyncadd.remote.s32 $0x1  }
0xc7: {  	_ =	sfence.sel $0xFFFF  }
0xc8: {  	[dreg:$0x0] =	wrdreg $0xFFFFFFFF;
	(pc) =	sbr.abs _section_cstart, $3  }
0xc9: {  	[dreg:$0x1] =	wrdreg $0xFFFFFFFF  }
0xca: {  	_ =	task.clear_ibuf [dreg:s8], $0x2FFFF;
	_ =	strace $0x9FFFFFFF  }
0xcb: {  	(tm) =	ssettm $0x7FFFFFFF  }
tec
execute0_lowered:
.L_overlay_start_1:
0x0: {  	(tag) =	ssettag $0x1  }
0x1: {  	s5 =	rddreg [dreg:$0x0]  }
0x2: {  	s10 =	rddreg [dreg:$0x1]  }
0x3: {  	s11 =	rddreg [dreg:$0x2]  }
0x4: {  	s1 =	rddreg [dreg:$0x3]  }
0x5: {  	s2 =	rddreg [dreg:$0x4]  }
0x6: {  	s0 =	rddreg [dreg:$0x5];
	s4 =	simm.s32 $0x0;
	s6 =	srdreg.scid  }
0x7: {  	s3 =	stileid.u32;
	s16 =	simm.s32 $0x8000;
	s17 =	simm.s32 $0xC000  }
0x8: {  	s18 =	simm.s32 $0x10000;
	s19 =	simm.s32 $0x1;
	s22 =	simm.s32 $0x0  }
0x9: {  	[smem:$0x7FF] =	sst s4;
	s6 =	sand.u32 $0x1, s6;
	s7 =	sshll.u32 s3, $0xB  }
0xa: {  	s13 =	sshll.u32 s3, $0xD;
	_ =	strace $0x80000047;
	s8 =	ssub.s32 $0x2, s6  }
0xb: {  	s9 =	sadd.s32 s7, s5;
	s5 =	sadd.s32 $0x10200, s5;
	s14 =	sshll.u32 s6, $0x11  }
0xc: {  	s6 =	sshll.u32 s3, $0xE;
	s20 =	sadd.s32 s13, s1;
	s21 =	sadd.s32 s13, s2  }
0xd: {  	s31 =	sshrl.u32 s8, $0x1;
	s7 =	sadd.s32 $0x8200, s9;
	s15 =	sor.u32 s13, s14  }
0xe: {  	s13 =	simm.s32 $0x14000;
	v0 =	vmov s14;
	s14 =	simm.s32 $0x2;
	s20 =	sshrl.u32 s20, $0x3  }
0xf: {  	s21 =	sshrl.u32 s21, $0x3;
	s12 =	ssub.s32 s8, s31;
	s15 =	sshrl.u32 s15, $0x3  }
0x10: {  	s8 =	sadd.s32 $0x10400, s9;
	s9 =	sadd.s32 $0x200, s9;
	v1 =	vsub.s32 $0x0, v0;
	v0 =	vlaneseq.u32;
	s10 =	sadd.s32 s10, s15  }
0x11: {  	s11 =	sadd.s32 s11, s15;
	s12 =	smax.u32 s12, $0x1;
	s15 =	simm.s32 $0x4000;
	v1 =	vbroadcast v1, $0x0;
	v2 =	vor.u32 $0x20000, v0  }
.LBB2_1:
0x12: {  	[tilespmem:s13], [sflag:$0x2] =	stream.linear.gather [hbm4b:s5+s4], $0x80, $0x38;
	[tilespmem:$0x18090] =	vst v63  }
0x13: {  	_ =	swait.ge [sflag:s14], $0x80  }
0x14: {  	[sflag:s14] =	ssyncset.done $0x0  }
0x15: {  	[sflag:s14] =	ssyncadd.s32 $0xFFFFFF80  }
0x16: {  	[tilespmem:s4], [sflag:$0x2] =	stream.linear.gather [hbm4b:s7+s4], $0x4000, $0x38;
	[tilespmem:$0x18090] =	vst v63  }
0x17: {  	_ =	swait.ge [sflag:s14], $0x4000  }
0x18: {  	[sflag:s14] =	ssyncset.done $0x0  }
0x19: {  	[sflag:s14] =	ssyncadd.s32 $0xFFFFC000  }
0x1a: {  	[tilespmem:s15], [sflag:$0x2] =	stream.linear.gather [hbm4b:s8+s4], $0x4000, $0x38;
	[tilespmem:$0x18090] =	vst v63  }
0x1b: {  	_ =	swait.ge [sflag:s14], $0x4000  }
0x1c: {  	[sflag:s14] =	ssyncset.done $0x0  }
0x1d: {  	[sflag:s14] =	ssyncadd.s32 $0xFFFFC000  }
0x1e: {  	[tilespmem:s16], [sflag:$0x2] =	stream.linear.gather [hbm4b:s9+s4], $0x4000, $0x38;
	[tilespmem:$0x18090] =	vst v63  }
0x1f: {  	s23 =	simm.s32 $0x40;
	_ =	swait.ge [sflag:s14], $0x4000  }
0x20: {  	s24 =	simm.s32 $0x4040;
	s25 =	simm.s32 $0xC040;
	[sflag:s14] =	ssyncset.done $0x0  }
0x21: {  	s26 =	simm.s32 $0x10040;
	s28 =	simm.s32 $0x0;
	[sflag:s14] =	ssyncadd.s32 $0xFFFFC000  }
.LBB2_2:
0x22: {  	v3 =	vld [tilespmem:s23+$0xFFFFFFC0];
	_ =	sdelay $0x6  }
0x23: {  	v4 =	vld [tilespmem:s24+$0xFFFFFFC0]  }
0x24: {  	v3 =	vld.idx.msk [tilespmem:v3+s13+$0x0], $0xffff;
	_ =	sdelay $0x3  }
0x25: {  	v4 =	vadd.s32 v1, v4  }
0x26: {  	v3 =	vadd.s32 v3, v4  }
0x27: {  	s29 =	sadd.s32 s28, s6;
	vm0 =	vlt.u32 v3, $0x20000  }
0x28: {  	v49 =	vor.u32 s29, v0;
	v3 =	vsel vm0, v3, v2  }
0x29: {  	[tilespmem:s25+$0xFFFFFFC0] =	vst v3;
	v3 =	vand.u32 $0x7F8F, v49  }
0x2a: {  	[tilespmem:s26+$0xFFFFFFC0] =	vst v3  }
0x2b: {  	v3 =	vld [tilespmem:s23+$0xFFFFFFD0];
	_ =	sdelay $0x6  }
0x2c: {  	v50 =	vld [tilespmem:s24+$0xFFFFFFD0]  }
0x2d: {  	v3 =	vld.idx.msk [tilespmem:v3+s13+$0x0], $0xffff;
	_ =	sdelay $0x3  }
0x2e: {  	v4 =	vadd.s32 v1, v50  }
0x2f: {  	v3 =	vadd.s32 v3, v4  }
0x30: {  	s30 =	sadd.s32 $0x10, s29;
	vm9 =	vlt.u32 v3, $0x20000  }
0x31: {  	v51 =	vor.u32 s30, v0;
	v3 =	vsel vm9, v3, v2  }
0x32: {  	[tilespmem:s25+$0xFFFFFFD0] =	vst v3;
	v3 =	vand.u32 $0x7F9F, v51  }
0x33: {  	[tilespmem:s26+$0xFFFFFFD0] =	vst v3  }
0x34: {  	v3 =	vld [tilespmem:s23+$0xFFFFFFE0];
	_ =	sdelay $0x6  }
0x35: {  	v52 =	vld [tilespmem:s24+$0xFFFFFFE0]  }
0x36: {  	v3 =	vld.idx.msk [tilespmem:v3+s13+$0x0], $0xffff;
	_ =	sdelay $0x3  }
0x37: {  	v4 =	vadd.s32 v1, v52  }
0x38: {  	v3 =	vadd.s32 v3, v4  }
0x39: {  	s31 =	sadd.s32 $0x20, s29;
	vm10 =	vlt.u32 v3, $0x20000  }
0x3a: {  	v53 =	vor.u32 s31, v0;
	v3 =	vsel vm10, v3, v2  }
0x3b: {  	[tilespmem:s25+$0xFFFFFFE0] =	vst v3;
	v3 =	vand.u32 $0x7FAF, v53  }
0x3c: {  	[tilespmem:s26+$0xFFFFFFE0] =	vst v3  }
0x3d: {  	v3 =	vld [tilespmem:s23+$0xFFFFFFF0];
	_ =	sdelay $0x6  }
0x3e: {  	v54 =	vld [tilespmem:s24+$0xFFFFFFF0]  }
0x3f: {  	v3 =	vld.idx.msk [tilespmem:v3+s13+$0x0], $0xffff;
	_ =	sdelay $0x3  }
0x40: {  	v4 =	vadd.s32 v1, v54  }
0x41: {  	v3 =	vadd.s32 v3, v4  }
0x42: {  	s31 =	sadd.s32 $0x30, s29;
	vm11 =	vlt.u32 v3, $0x20000  }
0x43: {  	v55 =	vor.u32 s31, v0;
	v3 =	vsel vm11, v3, v2  }
0x44: {  	[tilespmem:s25+$0xFFFFFFF0] =	vst v3;
	v3 =	vand.u32 $0x7FBF, v55  }
0x45: {  	[tilespmem:s26+$0xFFFFFFF0] =	vst v3  }
0x46: {  	v3 =	vld [tilespmem:s23+$0x0];
	_ =	sdelay $0x6  }
0x47: {  	v56 =	vld [tilespmem:s24+$0x0]  }
0x48: {  	v3 =	vld.idx.msk [tilespmem:v3+s13+$0x0], $0xffff;
	_ =	sdelay $0x3  }
0x49: {  	v4 =	vadd.s32 v1, v56  }
0x4a: {  	v3 =	vadd.s32 v3, v4  }
0x4b: {  	s31 =	sadd.s32 $0x40, s29;
	vm12 =	vlt.u32 v3, $0x20000  }
0x4c: {  	v57 =	vor.u32 s31, v0;
	v3 =	vsel vm12, v3, v2  }
0x4d: {  	[tilespmem:s25+$0x0] =	vst v3;
	v3 =	vand.u32 $0x7FCF, v57  }
0x4e: {  	[tilespmem:s26+$0x0] =	vst v3  }
0x4f: {  	v3 =	vld [tilespmem:s23+$0x10];
	_ =	sdelay $0x6  }
0x50: {  	v58 =	vld [tilespmem:s24+$0x10]  }
0x51: {  	v3 =	vld.idx.msk [tilespmem:v3+s13+$0x0], $0xffff;
	_ =	sdelay $0x3  }
0x52: {  	v4 =	vadd.s32 v1, v58  }
0x53: {  	v3 =	vadd.s32 v3, v4  }
0x54: {  	s31 =	sadd.s32 $0x50, s29;
	vm13 =	vlt.u32 v3, $0x20000  }
0x55: {  	v59 =	vor.u32 s31, v0;
	v3 =	vsel vm13, v3, v2  }
0x56: {  	[tilespmem:s25+$0x10] =	vst v3;
	v3 =	vand.u32 $0x7FDF, v59  }
0x57: {  	[tilespmem:s26+$0x10] =	vst v3  }
0x58: {  	v3 =	vld [tilespmem:s23+$0x20];
	_ =	sdelay $0x6  }
0x59: {  	v60 =	vld [tilespmem:s24+$0x20]  }
0x5a: {  	v3 =	vld.idx.msk [tilespmem:v3+s13+$0x0], $0xffff;
	_ =	sdelay $0x3  }
0x5b: {  	v4 =	vadd.s32 v1, v60  }
0x5c: {  	v3 =	vadd.s32 v3, v4  }
0x5d: {  	s31 =	sadd.s32 $0x60, s29;
	vm14 =	vlt.u32 v3, $0x20000  }
0x5e: {  	v61 =	vor.u32 s31, v0;
	v3 =	vsel vm14, v3, v2  }
0x5f: {  	[tilespmem:s25+$0x20] =	vst v3;
	v3 =	vand.u32 $0x7FEF, v61  }
0x60: {  	[tilespmem:s26+$0x20] =	vst v3  }
0x61: {  	v3 =	vld [tilespmem:s23+$0x30];
	_ =	sdelay $0x6  }
0x62: {  	v62 =	vld [tilespmem:s24+$0x30]  }
0x63: {  	v3 =	vld.idx.msk [tilespmem:v3+s13+$0x0], $0xffff;
	_ =	sdelay $0x3  }
0x64: {  	p0 =	sne.s32 s28, $0x3F80;
	v4 =	vadd.s32 v1, v62  }
.Ltmp0:
0x65: {  	v3 =	vadd.s32 v3, v4;
	(pc) =	sbr.rel @p0 .LBB2_2-.Ltmp0, $4  }
0x66: {  	s29 =	sadd.s32 $0x70, s29;
	vm15 =	vlt.u32 v3, $0x20000  }
0x67: {  	v63 =	vor.u32 s29, v0;
	v3 =	vsel vm15, v3, v2  }
0x68: {  	s28 =	sadd.s32 $0x80, s28;
	s23 =	sadd.s32 $0x80, s23;
	[tilespmem:s25+$0x30] =	vst v3;
	v3 =	vand.u32 $0x7FFF, v63  }
0x69: {  	s24 =	sadd.s32 $0x80, s24;
	s25 =	sadd.s32 $0x80, s25;
	[tilespmem:s26+$0x30] =	vst v3;
	s26 =	sadd.s32 $0x80, s26  }
0x6a: {  	[spmem:s1] =	stream.indirect.scatter [tilespmem:s16], [sflag:$0x1], $0x1, s17, s15, $0xb8;
	[tilespmem:$0x18090] =	vst v63  }
0x6b: {  	_ = 	snop  }
0x6c: {  	[spmem:s2] =	stream.indirect.scatter [tilespmem:s18], [sflag:$0x1], $0x1, s17, s15, $0xb8;
	[tilespmem:$0x18090] =	vst v63  }
0x6d: {  	_ =	swait.ge [sflag:s19], $0x4000  }
0x6e: {  	[sflag:s19] =	ssyncset.done $0x0  }
0x6f: {  	[sflag:s19] =	ssyncadd.s32 $0xFFFFC000  }
0x70: {  	_ =	swait.ge [sflag:s19], $0x4000  }
0x71: {  	[sflag:s19] =	ssyncset.done $0x0  }
0x72: {  	s23 =	sshll.u32 s3, $0x6;
	[sflag:s19] =	ssyncadd.s32 $0xFFFFC000  }
0x73: {  	s23 =	sor.u32 $0x1C02, s23;
	[bflag:$0x0] =	sbarrier.arrive $0xFFFF  }
0x74: {  	[hbm:s10], [sflag:s23] =	dma.local [spmem:s20], $0x400  }
0x75: {  	s22 =	sadd.s32 $0x1, s22;
	_ =	swait.ge [sflag:s14], $0x400  }
0x76: {  	p0 =	sne.s32 s22, s12;
	[sflag:s14] =	ssyncset.done $0x0  }
.Ltmp1:
0x77: {  	[sflag:s14] =	ssyncadd.s32 $0xFFFFFC00;
	(pc) =	sbr.rel @p0 .LBB2_1-.Ltmp1, $4  }
0x78: {  	[hbm:s11], [sflag:s23] =	dma.local [spmem:s21], $0x400  }
0x79: {  	_ =	swait.ge [sflag:s14], $0x400  }
0x7a: {  	[sflag:s14] =	ssyncset.done $0x0  }
0x7b: {  	[sflag:s14] =	ssyncadd.s32 $0xFFFFFC00  }
0x7c: {  	_ =	sfence.sel $0x180000  }
0x7d: {  	[bflag:$0x0] =	sbarrier.arrive $0xFFFF  }
0x7e: {  	p0 =	sne.s32 s3, $0x0;
	_ =	strace $0x90000047  }
0x7f: {  	s0 =	sadd.s32 @!p0 $0x100000, s0;
	[bflag:$0x2] =	sbarrier.arrive $0xFFFF  }
0x80: {  	[sflag:s0] =	ssyncadd.tile.s32 @!p0 $0x1;
	_ =	shalt  }
.Lfunc_end2:
_tile_overlayer_lowered:
.L_overlay_start_2:
0x81: {  	(tag) =	ssettag $0x2  }
0x82: {  	s0 =	rddreg [dreg:$0x0];
	s2 =	stileid.u32  }
0x83: {  	s1 =	rddreg [dreg:$0x1];
	p0 =	sne.s32 s2, $0x0  }
0x84: {  	s3 =	rddreg [dreg:$0x2];
	[bflag:$0x3] =	sbarrier.arrive $0xFFFF;
	s2 =	simm.s32 @!p0 $0x1C02  }
0x85: {  	[timem:s3], [sflag:s2] =	dma.local @!p0 [hbm:s0], s1  }
0x86: {  	s0 =	simm.s32 @!p0 $0x2  }
0x87: {  	_ =	swait.ge @!p0 [sflag:s0], s1  }
0x88: {  	s1 =	ssub.s32 @!p0 $0x0, s1;
	[sflag:s0] =	ssyncset.done @!p0 $0x0  }
0x89: {  	[sflag:s0] =	ssyncadd.s32 @!p0 s1  }
0x8a: {  	[bflag:$0x3] =	sbarrier.arrive $0xFFFF  }
0x8b: {  	_ =	shalt  }

</sc_bundles>
